<compile_context>
chip_gen: v7x
topology: tpu7x:2x2x1
jax: 0.10.2.dev20260603
libtpu: 0.0.44.dev20260713+nightly
codegen_flags: <defaults>
</compile_context>

<pallas_src>
import functools

import jax
import jax.numpy as jnp
from jax import lax
from jax.experimental import pallas as pl
from jax.experimental.pallas import tpu as pltpu
from jax.experimental.pallas import tpu_sc as plsc

_NC = 2
_NS = 16
_NW = _NC * _NS
_ROWS = 16384
_H = 2048
_RPW = _ROWS // _NW
_CHUNK = 16
_NCH = _RPW // _CHUNK

_mesh = plsc.VectorSubcoreMesh(core_axis_name="c", subcore_axis_name="s")


@functools.partial(
    pl.kernel,
    mesh=_mesh,
    out_type=jax.ShapeDtypeStruct((_ROWS, _H), jnp.float32),
    scratch_types=[
        pltpu.VMEM((_CHUNK, _H), jnp.float32),
    ],
)
def _sc_copy(in_hbm, out_hbm, buf):
    wid = lax.axis_index("s") * _NC + lax.axis_index("c")
    base = wid * _RPW
    for i in range(_NCH):
        pltpu.sync_copy(in_hbm.at[pl.ds(base + i * _CHUNK, _CHUNK)], buf)
        pltpu.sync_copy(buf, out_hbm.at[pl.ds(base + i * _CHUNK, _CHUNK)])


def kernel(attention_mask, inputs_embeds):
    del attention_mask
    b, s, h = inputs_embeds.shape
    x = inputs_embeds.reshape(_ROWS, _H)
    return _sc_copy(x).reshape(b, s, h)

# --- scband reference (transcript-rebuilt; emitter-appended) ---
"""Pipeline reference for scband-dummy-vlmbackbone-64776696758773 (READ-ONLY COPY).

The authoritative reference and input builder live on the scoring server;
editing this copy changes nothing except your own understanding.
"""

import jax, jax.numpy as jnp
import numpy as np


def setup_inputs(seed: int = 0) -> dict:
    key = jax.random.key(seed)
    k1, _ = jax.random.split(key)
    batch, seq_len, hidden = 4, 4096, 2048
    attention_mask = jnp.ones((batch, seq_len), dtype=jnp.int64)
    inputs_embeds = jax.random.normal(k1, (batch, seq_len, hidden), dtype=jnp.float32)
    return {"attention_mask": attention_mask, "inputs_embeds": inputs_embeds}


def reference(attention_mask, inputs_embeds):
    # DummyVLMBackbone.forward records the call and returns
    # SimpleNamespace(hidden_states=inputs_embeds, logits=None, ...).
    # The only tensor output is hidden_states == inputs_embeds (identity pass-through).
    hidden_states = inputs_embeds
    return hidden_states

if __name__ == "__main__":
    import jax
    _d = setup_inputs()
    print(jax.jit(kernel)(*tuple(_d.values())))

</pallas_src>

<mosaic_0001>
#map = affine_map<(d0, d1) -> (0, 0)>
module attributes {stable_mosaic.version = 14 : i64} {
  func.func @_sc_copy(%arg0: i32, %arg1: i32, %arg2: memref<16384x2048xf32, #tpu.memory_space<hbm>>, %arg3: memref<16384x2048xf32, #tpu.memory_space<hbm>>, %arg4: memref<16x2048xf32, #tpu.memory_space<vmem>>) attributes {dimension_semantics = [#tpu.dimension_semantics<core_parallel>, #tpu.dimension_semantics<subcore_parallel>], iteration_bounds = array<i64: 2, 16>, scalar_prefetch = 0 : i64, scratch_operands = 1 : i64, tpu.core_type = #tpu.core_type<sc_vector_subcore>, window_params = [{transform_indices = #map}, {transform_indices = #map}]} {
    %mul3A = arith.constant 2 : i32
    %mul3A_0 = arith.muli %arg1, %mul3A : i32
    %add3A = arith.addi %mul3A_0, %arg0 : i32
    %mul3A_1 = arith.constant 512 : i32
    %mul3A_2 = arith.muli %add3A, %mul3A_1 : i32
    %add3A_3 = arith.constant 0 : i32
    %add3A_4 = arith.addi %mul3A_2, %add3A_3 : i32
    "tpu.region"() ({
      %run_scoped3A = tpu.sem_alloc : memref<!tpu.dma_semaphore, #tpu.memory_space<semaphore_mem>>
      %dma_start3A = arith.constant 0 : i32
      %dma_start3A_131 = tpu.memref_slice %arg2[%add3A_4, %dma_start3A] : memref<16384x2048xf32, #tpu.memory_space<hbm>> -> memref<16x2048xf32, #tpu.memory_space<hbm>>
      %dma_start3A_132 = arith.constant 0 : i32
      %dma_start3A_133 = tpu.memref_slice %arg2[%add3A_4, %dma_start3A_132] : memref<16384x2048xf32, #tpu.memory_space<hbm>> -> memref<16x2048xf32, #tpu.memory_space<hbm>>
      tpu.enqueue_dma source(%dma_start3A_133 : memref<16x2048xf32, #tpu.memory_space<hbm>>) target(%arg4 : memref<16x2048xf32, #tpu.memory_space<vmem>>) target_semaphore(%run_scoped3A : memref<!tpu.dma_semaphore, #tpu.memory_space<semaphore_mem>>)
      %dma_wait3A = arith.constant 0 : i32
      %dma_wait3A_134 = tpu.memref_slice %arg2[%add3A_4, %dma_wait3A] : memref<16384x2048xf32, #tpu.memory_space<hbm>> -> memref<16x2048xf32, #tpu.memory_space<hbm>>
      %dma_wait3A_135 = arith.constant 0 : i32
      %dma_wait3A_136 = tpu.memref_slice %arg2[%add3A_4, %dma_wait3A_135] : memref<16384x2048xf32, #tpu.memory_space<hbm>> -> memref<16x2048xf32, #tpu.memory_space<hbm>>
      tpu.wait_dma2 semaphore(%run_scoped3A : memref<!tpu.dma_semaphore, #tpu.memory_space<semaphore_mem>>) src(%dma_wait3A_136 : memref<16x2048xf32, #tpu.memory_space<hbm>>) dst(%arg4 : memref<16x2048xf32, #tpu.memory_space<vmem>>)
      tpu.yield
    }) : () -> ()
    %add3A_5 = arith.constant 0 : i32
    %add3A_6 = arith.addi %mul3A_2, %add3A_5 : i32
    "tpu.region"() ({
      %run_scoped3A = tpu.sem_alloc : memref<!tpu.dma_semaphore, #tpu.memory_space<semaphore_mem>>
      %dma_start3A = arith.constant 0 : i32
      %dma_start3A_131 = tpu.memref_slice %arg3[%add3A_6, %dma_start3A] : memref<16384x2048xf32, #tpu.memory_space<hbm>> -> memref<16x2048xf32, #tpu.memory_space<hbm>>
      %dma_start3A_132 = arith.constant 0 : i32
      %dma_start3A_133 = tpu.memref_slice %arg3[%add3A_6, %dma_start3A_132] : memref<16384x2048xf32, #tpu.memory_space<hbm>> -> memref<16x2048xf32, #tpu.memory_space<hbm>>
      tpu.enqueue_dma source(%arg4 : memref<16x2048xf32, #tpu.memory_space<vmem>>) target(%dma_start3A_133 : memref<16x2048xf32, #tpu.memory_space<hbm>>) target_semaphore(%run_scoped3A : memref<!tpu.dma_semaphore, #tpu.memory_space<semaphore_mem>>)
      %dma_wait3A = arith.constant 0 : i32
      %dma_wait3A_134 = tpu.memref_slice %arg3[%add3A_6, %dma_wait3A] : memref<16384x2048xf32, #tpu.memory_space<hbm>> -> memref<16x2048xf32, #tpu.memory_space<hbm>>
      %dma_wait3A_135 = arith.constant 0 : i32
      %dma_wait3A_136 = tpu.memref_slice %arg3[%add3A_6, %dma_wait3A_135] : memref<16384x2048xf32, #tpu.memory_space<hbm>> -> memref<16x2048xf32, #tpu.memory_space<hbm>>
      tpu.wait_dma2 semaphore(%run_scoped3A : memref<!tpu.dma_semaphore, #tpu.memory_space<semaphore_mem>>) src(%arg4 : memref<16x2048xf32, #tpu.memory_space<vmem>>) dst(%dma_wait3A_136 : memref<16x2048xf32, #tpu.memory_space<hbm>>)
      tpu.yield
    }) : () -> ()
    %add3A_7 = arith.constant 16 : i32
    %add3A_8 = arith.addi %mul3A_2, %add3A_7 : i32
    "tpu.region"() ({
      %run_scoped3A = tpu.sem_alloc : memref<!tpu.dma_semaphore, #tpu.memory_space<semaphore_mem>>
      %dma_start3A = arith.constant 0 : i32
      %dma_start3A_131 = tpu.memref_slice %arg2[%add3A_8, %dma_start3A] : memref<16384x2048xf32, #tpu.memory_space<hbm>> -> memref<16x2048xf32, #tpu.memory_space<hbm>>
      %dma_start3A_132 = arith.constant 0 : i32
      %dma_start3A_133 = tpu.memref_slice %arg2[%add3A_8, %dma_start3A_132] : memref<16384x2048xf32, #tpu.memory_space<hbm>> -> memref<16x2048xf32, #tpu.memory_space<hbm>>
      tpu.enqueue_dma source(%dma_start3A_133 : memref<16x2048xf32, #tpu.memory_space<hbm>>) target(%arg4 : memref<16x2048xf32, #tpu.memory_space<vmem>>) target_semaphore(%run_scoped3A : memref<!tpu.dma_semaphore, #tpu.memory_space<semaphore_mem>>)
      %dma_wait3A = arith.constant 0 : i32
      %dma_wait3A_134 = tpu.memref_slice %arg2[%add3A_8, %dma_wait3A] : memref<16384x2048xf32, #tpu.memory_space<hbm>> -> memref<16x2048xf32, #tpu.memory_space<hbm>>
      %dma_wait3A_135 = arith.constant 0 : i32
      %dma_wait3A_136 = tpu.memref_slice %arg2[%add3A_8, %dma_wait3A_135] : memref<16384x2048xf32, #tpu.memory_space<hbm>> -> memref<16x2048xf32, #tpu.memory_space<hbm>>
      tpu.wait_dma2 semaphore(%run_scoped3A : memref<!tpu.dma_semaphore, #tpu.memory_space<semaphore_mem>>) src(%dma_wait3A_136 : memref<16x2048xf32, #tpu.memory_space<hbm>>) dst(%arg4 : memref<16x2048xf32, #tpu.memory_space<vmem>>)
      tpu.yield
    }) : () -> ()
    %add3A_9 = arith.constant 16 : i32
    %add3A_10 = arith.addi %mul3A_2, %add3A_9 : i32
    "tpu.region"() ({
      %run_scoped3A = tpu.sem_alloc : memref<!tpu.dma_semaphore, #tpu.memory_space<semaphore_mem>>
      %dma_start3A = arith.constant 0 : i32
      %dma_start3A_131 = tpu.memref_slice %arg3[%add3A_10, %dma_start3A] : memref<16384x2048xf32, #tpu.memory_space<hbm>> -> memref<16x2048xf32, #tpu.memory_space<hbm>>
      %dma_start3A_132 = arith.constant 0 : i32
      %dma_start3A_133 = tpu.memref_slice %arg3[%add3A_10, %dma_start3A_132] : memref<16384x2048xf32, #tpu.memory_space<hbm>> -> memref<16x2048xf32, #tpu.memory_space<hbm>>
      tpu.enqueue_dma source(%arg4 : memref<16x2048xf32, #tpu.memory_space<vmem>>) target(%dma_start3A_133 : memref<16x2048xf32, #tpu.memory_space<hbm>>) target_semaphore(%run_scoped3A : memref<!tpu.dma_semaphore, #tpu.memory_space<semaphore_mem>>)
      %dma_wait3A = arith.constant 0 : i32
      %dma_wait3A_134 = tpu.memref_slice %arg3[%add3A_10, %dma_wait3A] : memref<16384x2048xf32, #tpu.memory_space<hbm>> -> memref<16x2048xf32, #tpu.memory_space<hbm>>
      %dma_wait3A_135 = arith.constant 0 : i32
      %dma_wait3A_136 = tpu.memref_slice %arg3[%add3A_10, %dma_wait3A_135] : memref<16384x2048xf32, #tpu.memory_space<hbm>> -> memref<16x2048xf32, #tpu.memory_space<hbm>>
      tpu.wait_dma2 semaphore(%run_scoped3A : memref<!tpu.dma_semaphore, #tpu.memory_space<semaphore_mem>>) src(%arg4 : memref<16x2048xf32, #tpu.memory_space<vmem>>) dst(%dma_wait3A_136 : memref<16x2048xf32, #tpu.memory_space<hbm>>)
      tpu.yield
    }) : () -> ()
    %add3A_11 = arith.constant 32 : i32
    %add3A_12 = arith.addi %mul3A_2, %add3A_11 : i32
    "tpu.region"() ({
      %run_scoped3A = tpu.sem_alloc : memref<!tpu.dma_semaphore, #tpu.memory_space<semaphore_mem>>
      %dma_start3A = arith.constant 0 : i32
      %dma_start3A_131 = tpu.memref_slice %arg2[%add3A_12, %dma_start3A] : memref<16384x2048xf32, #tpu.memory_space<hbm>> -> memref<16x2048xf32, #tpu.memory_space<hbm>>
      %dma_start3A_132 = arith.constant 0 : i32
      %dma_start3A_133 = tpu.memref_slice %arg2[%add3A_12, %dma_start3A_132] : memref<16384x2048xf32, #tpu.memory_space<hbm>> -> memref<16x2048xf32, #tpu.memory_space<hbm>>
      tpu.enqueue_dma source(%dma_start3A_133 : memref<16x2048xf32, #tpu.memory_space<hbm>>) target(%arg4 : memref<16x2048xf32, #tpu.memory_space<vmem>>) target_semaphore(%run_scoped3A : memref<!tpu.dma_semaphore, #tpu.memory_space<semaphore_mem>>)
      %dma_wait3A = arith.constant 0 : i32
      %dma_wait3A_134 = tpu.memref_slice %arg2[%add3A_12, %dma_wait3A] : memref<16384x2048xf32, #tpu.memory_space<hbm>> -> memref<16x2048xf32, #tpu.memory_space<hbm>>
      %dma_wait3A_135 = arith.constant 0 : i32
      %dma_wait3A_136 = tpu.memref_slice %arg2[%add3A_12, %dma_wait3A_135] : memref<16384x2048xf32, #tpu.memory_space<hbm>> -> memref<16x2048xf32, #tpu.memory_space<hbm>>
      tpu.wait_dma2 semaphore(%run_scoped3A : memref<!tpu.dma_semaphore, #tpu.memory_space<semaphore_mem>>) src(%dma_wait3A_136 : memref<16x2048xf32, #tpu.memory_space<hbm>>) dst(%arg4 : memref<16x2048xf32, #tpu.memory_space<vmem>>)
      tpu.yield
    }) : () -> ()
    %add3A_13 = arith.constant 32 : i32
    %add3A_14 = arith.addi %mul3A_2, %add3A_13 : i32
    "tpu.region"() ({
      %run_scoped3A = tpu.sem_alloc : memref<!tpu.dma_semaphore, #tpu.memory_space<semaphore_mem>>
      %dma_start3A = arith.constant 0 : i32
      %dma_start3A_131 = tpu.memref_slice %arg3[%add3A_14, %dma_start3A] : memref<16384x2048xf32, #tpu.memory_space<hbm>> -> memref<16x2048xf32, #tpu.memory_space<hbm>>
      %dma_start3A_132 = arith.constant 0 : i32
      %dma_start3A_133 = tpu.memref_slice %arg3[%add3A_14, %dma_start3A_132] : memref<16384x2048xf32, #tpu.memory_space<hbm>> -> memref<16x2048xf32, #tpu.memory_space<hbm>>
      tpu.enqueue_dma source(%arg4 : memref<16x2048xf32, #tpu.memory_space<vmem>>) target(%dma_start3A_133 : memref<16x2048xf32, #tpu.memory_space<hbm>>) target_semaphore(%run_scoped3A : memref<!tpu.dma_semaphore, #tpu.memory_space<semaphore_mem>>)
      %dma_wait3A = arith.constant 0 : i32
      %dma_wait3A_134 = tpu.memref_slice %arg3[%add3A_14, %dma_wait3A] : memref<16384x2048xf32, #tpu.memory_space<hbm>> -> memref<16x2048xf32, #tpu.memory_space<hbm>>
      %dma_wait3A_135 = arith.constant 0 : i32
      %dma_wait3A_136 = tpu.memref_slice %arg3[%add3A_14, %dma_wait3A_135] : memref<16384x2048xf32, #tpu.memory_space<hbm>> -> memref<16x2048xf32, #tpu.memory_space<hbm>>
      tpu.wait_dma2 semaphore(%run_scoped3A : memref<!tpu.dma_semaphore, #tpu.memory_space<semaphore_mem>>) src(%arg4 : memref<16x2048xf32, #tpu.memory_space<vmem>>) dst(%dma_wait3A_136 : memref<16x2048xf32, #tpu.memory_space<hbm>>)
      tpu.yield
    }) : () -> ()
    %add3A_15 = arith.constant 48 : i32
    %add3A_16 = arith.addi %mul3A_2, %add3A_15 : i32
    "tpu.region"() ({
      %run_scoped3A = tpu.sem_alloc : memref<!tpu.dma_semaphore, #tpu.memory_space<semaphore_mem>>
      %dma_start3A = arith.constant 0 : i32
      %dma_start3A_131 = tpu.memref_slice %arg2[%add3A_16, %dma_start3A] : memref<16384x2048xf32, #tpu.memory_space<hbm>> -> memref<16x2048xf32, #tpu.memory_space<hbm>>
      %dma_start3A_132 = arith.constant 0 : i32
      %dma_start3A_133 = tpu.memref_slice %arg2[%add3A_16, %dma_start3A_132] : memref<16384x2048xf32, #tpu.memory_space<hbm>> -> memref<16x2048xf32, #tpu.memory_space<hbm>>
      tpu.enqueue_dma source(%dma_start3A_133 : memref<16x2048xf32, #tpu.memory_space<hbm>>) target(%arg4 : memref<16x2048xf32, #tpu.memory_space<vmem>>) target_semaphore(%run_scoped3A : memref<!tpu.dma_semaphore, #tpu.memory_space<semaphore_mem>>)
      %dma_wait3A = arith.constant 0 : i32
      %dma_wait3A_134 = tpu.memref_slice %arg2[%add3A_16, %dma_wait3A] : memref<16384x2048xf32, #tpu.memory_space<hbm>> -> memref<16x2048xf32, #tpu.memory_space<hbm>>
      %dma_wait3A_135 = arith.constant 0 : i32
      %dma_wait3A_136 = tpu.memref_slice %arg2[%add3A_16, %dma_wait3A_135] : memref<16384x2048xf32, #tpu.memory_space<hbm>> -> memref<16x2048xf32, #tpu.memory_space<hbm>>
      tpu.wait_dma2 semaphore(%run_scoped3A : memref<!tpu.dma_semaphore, #tpu.memory_space<semaphore_mem>>) src(%dma_wait3A_136 : memref<16x2048xf32, #tpu.memory_space<hbm>>) dst(%arg4 : memref<16x2048xf32, #tpu.memory_space<vmem>>)
      tpu.yield
    }) : () -> ()
    %add3A_17 = arith.constant 48 : i32
    %add3A_18 = arith.addi %mul3A_2, %add3A_17 : i32
    "tpu.region"() ({
      %run_scoped3A = tpu.sem_alloc : memref<!tpu.dma_semaphore, #tpu.memory_space<semaphore_mem>>
      %dma_start3A = arith.constant 0 : i32
      %dma_start3A_131 = tpu.memref_slice %arg3[%add3A_18, %dma_start3A] : memref<16384x2048xf32, #tpu.memory_space<hbm>> -> memref<16x2048xf32, #tpu.memory_space<hbm>>
      %dma_start3A_132 = arith.constant 0 : i32
      %dma_start3A_133 = tpu.memref_slice %arg3[%add3A_18, %dma_start3A_132] : memref<16384x2048xf32, #tpu.memory_space<hbm>> -> memref<16x2048xf32, #tpu.memory_space<hbm>>
      tpu.enqueue_dma source(%arg4 : memref<16x2048xf32, #tpu.memory_space<vmem>>) target(%dma_start3A_133 : memref<16x2048xf32, #tpu.memory_space<hbm>>) target_semaphore(%run_scoped3A : memref<!tpu.dma_semaphore, #tpu.memory_space<semaphore_mem>>)
      %dma_wait3A = arith.constant 0 : i32
      %dma_wait3A_134 = tpu.memref_slice %arg3[%add3A_18, %dma_wait3A] : memref<16384x2048xf32, #tpu.memory_space<hbm>> -> memref<16x2048xf32, #tpu.memory_space<hbm>>
      %dma_wait3A_135 = arith.constant 0 : i32
      %dma_wait3A_136 = tpu.memref_slice %arg3[%add3A_18, %dma_wait3A_135] : memref<16384x2048xf32, #tpu.memory_space<hbm>> -> memref<16x2048xf32, #tpu.memory_space<hbm>>
      tpu.wait_dma2 semaphore(%run_scoped3A : memref<!tpu.dma_semaphore, #tpu.memory_space<semaphore_mem>>) src(%arg4 : memref<16x2048xf32, #tpu.memory_space<vmem>>) dst(%dma_wait3A_136 : memref<16x2048xf32, #tpu.memory_space<hbm>>)
      tpu.yield
    }) : () -> ()
    %add3A_19 = arith.constant 64 : i32
    %add3A_20 = arith.addi %mul3A_2, %add3A_19 : i32
    "tpu.region"() ({
      %run_scoped3A = tpu.sem_alloc : memref<!tpu.dma_semaphore, #tpu.memory_space<semaphore_mem>>
      %dma_start3A = arith.constant 0 : i32
      %dma_start3A_131 = tpu.memref_slice %arg2[%add3A_20, %dma_start3A] : memref<16384x2048xf32, #tpu.memory_space<hbm>> -> memref<16x2048xf32, #tpu.memory_space<hbm>>
      %dma_start3A_132 = arith.constant 0 : i32
      %dma_start3A_133 = tpu.memref_slice %arg2[%add3A_20, %dma_start3A_132] : memref<16384x2048xf32, #tpu.memory_space<hbm>> -> memref<16x2048xf32, #tpu.memory_space<hbm>>
      tpu.enqueue_dma source(%dma_start3A_133 : memref<16x2048xf32, #tpu.memory_space<hbm>>) target(%arg4 : memref<16x2048xf32, #tpu.memory_space<vmem>>) target_semaphore(%run_scoped3A : memref<!tpu.dma_semaphore, #tpu.memory_space<semaphore_mem>>)
      %dma_wait3A = arith.constant 0 : i32
      %dma_wait3A_134 = tpu.memref_slice %arg2[%add3A_20, %dma_wait3A] : memref<16384x2048xf32, #tpu.memory_space<hbm>> -> memref<16x2048xf32, #tpu.memory_space<hbm>>
      %dma_wait3A_135 = arith.constant 0 : i32
      %dma_wait3A_136 = tpu.memref_slice %arg2[%add3A_20, %dma_wait3A_135] : memref<16384x2048xf32, #tpu.memory_space<hbm>> -> memref<16x2048xf32, #tpu.memory_space<hbm>>
      tpu.wait_dma2 semaphore(%run_scoped3A : memref<!tpu.dma_semaphore, #tpu.memory_space<semaphore_mem>>) src(%dma_wait3A_136 : memref<16x2048xf32, #tpu.memory_space<hbm>>) dst(%arg4 : memref<16x2048xf32, #tpu.memory_space<vmem>>)
      tpu.yield
    }) : () -> ()
    %add3A_21 = arith.constant 64 : i32
    %add3A_22 = arith.addi %mul3A_2, %add3A_21 : i32
    "tpu.region"() ({
      %run_scoped3A = tpu.sem_alloc : memref<!tpu.dma_semaphore, #tpu.memory_space<semaphore_mem>>
      %dma_start3A = arith.constant 0 : i32
      %dma_start3A_131 = tpu.memref_slice %arg3[%add3A_22, %dma_start3A] : memref<16384x2048xf32, #tpu.memory_space<hbm>> -> memref<16x2048xf32, #tpu.memory_space<hbm>>
      %dma_start3A_132 = arith.constant 0 : i32
      %dma_start3A_133 = tpu.memref_slice %arg3[%add3A_22, %dma_start3A_132] : memref<16384x2048xf32, #tpu.memory_space<hbm>> -> memref<16x2048xf32, #tpu.memory_space<hbm>>
      tpu.enqueue_dma source(%arg4 : memref<16x2048xf32, #tpu.memory_space<vmem>>) target(%dma_start3A_133 : memref<16x2048xf32, #tpu.memory_space<hbm>>) target_semaphore(%run_scoped3A : memref<!tpu.dma_semaphore, #tpu.memory_space<semaphore_mem>>)
      %dma_wait3A = arith.constant 0 : i32
      %dma_wait3A_134 = tpu.memref_slice %arg3[%add3A_22, %dma_wait3A] : memref<16384x2048xf32, #tpu.memory_space<hbm>> -> memref<16x2048xf32, #tpu.memory_space<hbm>>
      %dma_wait3A_135 = arith.constant 0 : i32
      %dma_wait3A_136 = tpu.memref_slice %arg3[%add3A_22, %dma_wait3A_135] : memref<16384x2048xf32, #tpu.memory_space<hbm>> -> memref<16x2048xf32, #tpu.memory_space<hbm>>
      tpu.wait_dma2 semaphore(%run_scoped3A : memref<!tpu.dma_semaphore, #tpu.memory_space<semaphore_mem>>) src(%arg4 : memref<16x2048xf32, #tpu.memory_space<vmem>>) dst(%dma_wait3A_136 : memref<16x2048xf32, #tpu.memory_space<hbm>>)
      tpu.yield
    }) : () -> ()
    %add3A_23 = arith.constant 80 : i32
    %add3A_24 = arith.addi %mul3A_2, %add3A_23 : i32
    "tpu.region"() ({
      %run_scoped3A = tpu.sem_alloc : memref<!tpu.dma_semaphore, #tpu.memory_space<semaphore_mem>>
      %dma_start3A = arith.constant 0 : i32
      %dma_start3A_131 = tpu.memref_slice %arg2[%add3A_24, %dma_start3A] : memref<16384x2048xf32, #tpu.memory_space<hbm>> -> memref<16x2048xf32, #tpu.memory_space<hbm>>
      %dma_start3A_132 = arith.constant 0 : i32
      %dma_start3A_133 = tpu.memref_slice %arg2[%add3A_24, %dma_start3A_132] : memref<16384x2048xf32, #tpu.memory_space<hbm>> -> memref<16x2048xf32, #tpu.memory_space<hbm>>
      tpu.enqueue_dma source(%dma_start3A_133 : memref<16x2048xf32, #tpu.memory_space<hbm>>) target(%arg4 : memref<16x2048xf32, #tpu.memory_space<vmem>>) target_semaphore(%run_scoped3A : memref<!tpu.dma_semaphore, #tpu.memory_space<semaphore_mem>>)
      %dma_wait3A = arith.constant 0 : i32
      %dma_wait3A_134 = tpu.memref_slice %arg2[%add3A_24, %dma_wait3A] : memref<16384x2048xf32, #tpu.memory_space<hbm>> -> memref<16x2048xf32, #tpu.memory_space<hbm>>
      %dma_wait3A_135 = arith.constant 0 : i32
      %dma_wait3A_136 = tpu.memref_slice %arg2[%add3A_24, %dma_wait3A_135] : memref<16384x2048xf32, #tpu.memory_space<hbm>> -> memref<16x2048xf32, #tpu.memory_space<hbm>>
      tpu.wait_dma2 semaphore(%run_scoped3A : memref<!tpu.dma_semaphore, #tpu.memory_space<semaphore_mem>>) src(%dma_wait3A_136 : memref<16x2048xf32, #tpu.memory_space<hbm>>) dst(%arg4 : memref<16x2048xf32, #tpu.memory_space<vmem>>)
      tpu.yield
    }) : () -> ()
    %add3A_25 = arith.constant 80 : i32
    %add3A_26 = arith.addi %mul3A_2, %add3A_25 : i32
    "tpu.region"() ({
      %run_scoped3A = tpu.sem_alloc : memref<!tpu.dma_semaphore, #tpu.memory_space<semaphore_mem>>
      %dma_start3A = arith.constant 0 : i32
      %dma_start3A_131 = tpu.memref_slice %arg3[%add3A_26, %dma_start3A] : memref<16384x2048xf32, #tpu.memory_space<hbm>> -> memref<16x2048xf32, #tpu.memory_space<hbm>>
      %dma_start3A_132 = arith.constant 0 : i32
      %dma_start3A_133 = tpu.memref_slice %arg3[%add3A_26, %dma_start3A_132] : memref<16384x2048xf32, #tpu.memory_space<hbm>> -> memref<16x2048xf32, #tpu.memory_space<hbm>>
      tpu.enqueue_dma source(%arg4 : memref<16x2048xf32, #tpu.memory_space<vmem>>) target(%dma_start3A_133 : memref<16x2048xf32, #tpu.memory_space<hbm>>) target_semaphore(%run_scoped3A : memref<!tpu.dma_semaphore, #tpu.memory_space<semaphore_mem>>)
      %dma_wait3A = arith.constant 0 : i32
      %dma_wait3A_134 = tpu.memref_slice %arg3[%add3A_26, %dma_wait3A] : memref<16384x2048xf32, #tpu.memory_space<hbm>> -> memref<16x2048xf32, #tpu.memory_space<hbm>>
      %dma_wait3A_135 = arith.constant 0 : i32
      %dma_wait3A_136 = tpu.memref_slice %arg3[%add3A_26, %dma_wait3A_135] : memref<16384x2048xf32, #tpu.memory_space<hbm>> -> memref<16x2048xf32, #tpu.memory_space<hbm>>
      tpu.wait_dma2 semaphore(%run_scoped3A : memref<!tpu.dma_semaphore, #tpu.memory_space<semaphore_mem>>) src(%arg4 : memref<16x2048xf32, #tpu.memory_space<vmem>>) dst(%dma_wait3A_136 : memref<16x2048xf32, #tpu.memory_space<hbm>>)
      tpu.yield
    }) : () -> ()
    %add3A_27 = arith.constant 96 : i32
    %add3A_28 = arith.addi %mul3A_2, %add3A_27 : i32
    "tpu.region"() ({
      %run_scoped3A = tpu.sem_alloc : memref<!tpu.dma_semaphore, #tpu.memory_space<semaphore_mem>>
      %dma_start3A = arith.constant 0 : i32
      %dma_start3A_131 = tpu.memref_slice %arg2[%add3A_28, %dma_start3A] : memref<16384x2048xf32, #tpu.memory_space<hbm>> -> memref<16x2048xf32, #tpu.memory_space<hbm>>
      %dma_start3A_132 = arith.constant 0 : i32
      %dma_start3A_133 = tpu.memref_slice %arg2[%add3A_28, %dma_start3A_132] : memref<16384x2048xf32, #tpu.memory_space<hbm>> -> memref<16x2048xf32, #tpu.memory_space<hbm>>
      tpu.enqueue_dma source(%dma_start3A_133 : memref<16x2048xf32, #tpu.memory_space<hbm>>) target(%arg4 : memref<16x2048xf32, #tpu.memory_space<vmem>>) target_semaphore(%run_scoped3A : memref<!tpu.dma_semaphore, #tpu.memory_space<semaphore_mem>>)
      %dma_wait3A = arith.constant 0 : i32
      %dma_wait3A_134 = tpu.memref_slice %arg2[%add3A_28, %dma_wait3A] : memref<16384x2048xf32, #tpu.memory_space<hbm>> -> memref<16x2048xf32, #tpu.memory_space<hbm>>
      %dma_wait3A_135 = arith.constant 0 : i32
      %dma_wait3A_136 = tpu.memref_slice %arg2[%add3A_28, %dma_wait3A_135] : memref<16384x2048xf32, #tpu.memory_space<hbm>> -> memref<16x2048xf32, #tpu.memory_space<hbm>>
      tpu.wait_dma2 semaphore(%run_scoped3A : memref<!tpu.dma_semaphore, #tpu.memory_space<semaphore_mem>>) src(%dma_wait3A_136 : memref<16x2048xf32, #tpu.memory_space<hbm>>) dst(%arg4 : memref<16x2048xf32, #tpu.memory_space<vmem>>)
      tpu.yield
    }) : () -> ()
    %add3A_29 = arith.constant 96 : i32
    %add3A_30 = arith.addi %mul3A_2, %add3A_29 : i32
    "tpu.region"() ({
      %run_scoped3A = tpu.sem_alloc : memref<!tpu.dma_semaphore, #tpu.memory_space<semaphore_mem>>
      %dma_start3A = arith.constant 0 : i32
      %dma_start3A_131 = tpu.memref_slice %arg3[%add3A_30, %dma_start3A] : memref<16384x2048xf32, #tpu.memory_space<hbm>> -> memref<16x2048xf32, #tpu.memory_space<hbm>>
      %dma_start3A_132 = arith.constant 0 : i32
      %dma_start3A_133 = tpu.memref_slice %arg3[%add3A_30, %dma_start3A_132] : memref<16384x2048xf32, #tpu.memory_space<hbm>> -> memref<16x2048xf32, #tpu.memory_space<hbm>>
      tpu.enqueue_dma source(%arg4 : memref<16x2048xf32, #tpu.memory_space<vmem>>) target(%dma_start3A_133 : memref<16x2048xf32, #tpu.memory_space<hbm>>) target_semaphore(%run_scoped3A : memref<!tpu.dma_semaphore, #tpu.memory_space<semaphore_mem>>)
      %dma_wait3A = arith.constant 0 : i32
      %dma_wait3A_134 = tpu.memref_slice %arg3[%add3A_30, %dma_wait3A] : memref<16384x2048xf32, #tpu.memory_space<hbm>> -> memref<16x2048xf32, #tpu.memory_space<hbm>>
      %dma_wait3A_135 = arith.constant 0 : i32
      %dma_wait3A_136 = tpu.memref_slice %arg3[%add3A_30, %dma_wait3A_135] : memref<16384x2048xf32, #tpu.memory_space<hbm>> -> memref<16x2048xf32, #tpu.memory_space<hbm>>
      tpu.wait_dma2 semaphore(%run_scoped3A : memref<!tpu.dma_semaphore, #tpu.memory_space<semaphore_mem>>) src(%arg4 : memref<16x2048xf32, #tpu.memory_space<vmem>>) dst(%dma_wait3A_136 : memref<16x2048xf32, #tpu.memory_space<hbm>>)
      tpu.yield
    }) : () -> ()
    %add3A_31 = arith.constant 112 : i32
    %add3A_32 = arith.addi %mul3A_2, %add3A_31 : i32
    "tpu.region"() ({
      %run_scoped3A = tpu.sem_alloc : memref<!tpu.dma_semaphore, #tpu.memory_space<semaphore_mem>>
      %dma_start3A = arith.constant 0 : i32
      %dma_start3A_131 = tpu.memref_slice %arg2[%add3A_32, %dma_start3A] : memref<16384x2048xf32, #tpu.memory_space<hbm>> -> memref<16x2048xf32, #tpu.memory_space<hbm>>
      %dma_start3A_132 = arith.constant 0 : i32
      %dma_start3A_133 = tpu.memref_slice %arg2[%add3A_32, %dma_start3A_132] : memref<16384x2048xf32, #tpu.memory_space<hbm>> -> memref<16x2048xf32, #tpu.memory_space<hbm>>
      tpu.enqueue_dma source(%dma_start3A_133 : memref<16x2048xf32, #tpu.memory_space<hbm>>) target(%arg4 : memref<16x2048xf32, #tpu.memory_space<vmem>>) target_semaphore(%run_scoped3A : memref<!tpu.dma_semaphore, #tpu.memory_space<semaphore_mem>>)
      %dma_wait3A = arith.constant 0 : i32
      %dma_wait3A_134 = tpu.memref_slice %arg2[%add3A_32, %dma_wait3A] : memref<16384x2048xf32, #tpu.memory_space<hbm>> -> memref<16x2048xf32, #tpu.memory_space<hbm>>
      %dma_wait3A_135 = arith.constant 0 : i32
      %dma_wait3A_136 = tpu.memref_slice %arg2[%add3A_32, %dma_wait3A_135] : memref<16384x2048xf32, #tpu.memory_space<hbm>> -> memref<16x2048xf32, #tpu.memory_space<hbm>>
      tpu.wait_dma2 semaphore(%run_scoped3A : memref<!tpu.dma_semaphore, #tpu.memory_space<semaphore_mem>>) src(%dma_wait3A_136 : memref<16x2048xf32, #tpu.memory_space<hbm>>) dst(%arg4 : memref<16x2048xf32, #tpu.memory_space<vmem>>)
      tpu.yield
    }) : () -> ()
    %add3A_33 = arith.constant 112 : i32
    %add3A_34 = arith.addi %mul3A_2, %add3A_33 : i32
    "tpu.region"() ({
      %run_scoped3A = tpu.sem_alloc : memref<!tpu.dma_semaphore, #tpu.memory_space<semaphore_mem>>
      %dma_start3A = arith.constant 0 : i32
      %dma_start3A_131 = tpu.memref_slice %arg3[%add3A_34, %dma_start3A] : memref<16384x2048xf32, #tpu.memory_space<hbm>> -> memref<16x2048xf32, #tpu.memory_space<hbm>>
      %dma_start3A_132 = arith.constant 0 : i32
      %dma_start3A_133 = tpu.memref_slice %arg3[%add3A_34, %dma_start3A_132] : memref<16384x2048xf32, #tpu.memory_space<hbm>> -> memref<16x2048xf32, #tpu.memory_space<hbm>>
      tpu.enqueue_dma source(%arg4 : memref<16x2048xf32, #tpu.memory_space<vmem>>) target(%dma_start3A_133 : memref<16x2048xf32, #tpu.memory_space<hbm>>) target_semaphore(%run_scoped3A : memref<!tpu.dma_semaphore, #tpu.memory_space<semaphore_mem>>)
      %dma_wait3A = arith.constant 0 : i32
      %dma_wait3A_134 = tpu.memref_slice %arg3[%add3A_34, %dma_wait3A] : memref<16384x2048xf32, #tpu.memory_space<hbm>> -> memref<16x2048xf32, #tpu.memory_space<hbm>>
      %dma_wait3A_135 = arith.constant 0 : i32
      %dma_wait3A_136 = tpu.memref_slice %arg3[%add3A_34, %dma_wait3A_135] : memref<16384x2048xf32, #tpu.memory_space<hbm>> -> memref<16x2048xf32, #tpu.memory_space<hbm>>
      tpu.wait_dma2 semaphore(%run_scoped3A : memref<!tpu.dma_semaphore, #tpu.memory_space<semaphore_mem>>) src(%arg4 : memref<16x2048xf32, #tpu.memory_space<vmem>>) dst(%dma_wait3A_136 : memref<16x2048xf32, #tpu.memory_space<hbm>>)
      tpu.yield
    }) : () -> ()
    %add3A_35 = arith.constant 128 : i32
    %add3A_36 = arith.addi %mul3A_2, %add3A_35 : i32
    "tpu.region"() ({
      %run_scoped3A = tpu.sem_alloc : memref<!tpu.dma_semaphore, #tpu.memory_space<semaphore_mem>>
      %dma_start3A = arith.constant 0 : i32
      %dma_start3A_131 = tpu.memref_slice %arg2[%add3A_36, %dma_start3A] : memref<16384x2048xf32, #tpu.memory_space<hbm>> -> memref<16x2048xf32, #tpu.memory_space<hbm>>
      %dma_start3A_132 = arith.constant 0 : i32
      %dma_start3A_133 = tpu.memref_slice %arg2[%add3A_36, %dma_start3A_132] : memref<16384x2048xf32, #tpu.memory_space<hbm>> -> memref<16x2048xf32, #tpu.memory_space<hbm>>
      tpu.enqueue_dma source(%dma_start3A_133 : memref<16x2048xf32, #tpu.memory_space<hbm>>) target(%arg4 : memref<16x2048xf32, #tpu.memory_space<vmem>>) target_semaphore(%run_scoped3A : memref<!tpu.dma_semaphore, #tpu.memory_space<semaphore_mem>>)
      %dma_wait3A = arith.constant 0 : i32
      %dma_wait3A_134 = tpu.memref_slice %arg2[%add3A_36, %dma_wait3A] : memref<16384x2048xf32, #tpu.memory_space<hbm>> -> memref<16x2048xf32, #tpu.memory_space<hbm>>
      %dma_wait3A_135 = arith.constant 0 : i32
      %dma_wait3A_136 = tpu.memref_slice %arg2[%add3A_36, %dma_wait3A_135] : memref<16384x2048xf32, #tpu.memory_space<hbm>> -> memref<16x2048xf32, #tpu.memory_space<hbm>>
      tpu.wait_dma2 semaphore(%run_scoped3A : memref<!tpu.dma_semaphore, #tpu.memory_space<semaphore_mem>>) src(%dma_wait3A_136 : memref<16x2048xf32, #tpu.memory_space<hbm>>) dst(%arg4 : memref<16x2048xf32, #tpu.memory_space<vmem>>)
      tpu.yield
    }) : () -> ()
    %add3A_37 = arith.constant 128 : i32
    %add3A_38 = arith.addi %mul3A_2, %add3A_37 : i32
    "tpu.region"() ({
      %run_scoped3A = tpu.sem_alloc : memref<!tpu.dma_semaphore, #tpu.memory_space<semaphore_mem>>
      %dma_start3A = arith.constant 0 : i32
      %dma_start3A_131 = tpu.memref_slice %arg3[%add3A_38, %dma_start3A] : memref<16384x2048xf32, #tpu.memory_space<hbm>> -> memref<16x2048xf32, #tpu.memory_space<hbm>>
      %dma_start3A_132 = arith.constant 0 : i32
      %dma_start3A_133 = tpu.memref_slice %arg3[%add3A_38, %dma_start3A_132] : memref<16384x2048xf32, #tpu.memory_space<hbm>> -> memref<16x2048xf32, #tpu.memory_space<hbm>>
      tpu.enqueue_dma source(%arg4 : memref<16x2048xf32, #tpu.memory_space<vmem>>) target(%dma_start3A_133 : memref<16x2048xf32, #tpu.memory_space<hbm>>) target_semaphore(%run_scoped3A : memref<!tpu.dma_semaphore, #tpu.memory_space<semaphore_mem>>)
      %dma_wait3A = arith.constant 0 : i32
      %dma_wait3A_134 = tpu.memref_slice %arg3[%add3A_38, %dma_wait3A] : memref<16384x2048xf32, #tpu.memory_space<hbm>> -> memref<16x2048xf32, #tpu.memory_space<hbm>>
      %dma_wait3A_135 = arith.constant 0 : i32
      %dma_wait3A_136 = tpu.memref_slice %arg3[%add3A_38, %dma_wait3A_135] : memref<16384x2048xf32, #tpu.memory_space<hbm>> -> memref<16x2048xf32, #tpu.memory_space<hbm>>
      tpu.wait_dma2 semaphore(%run_scoped3A : memref<!tpu.dma_semaphore, #tpu.memory_space<semaphore_mem>>) src(%arg4 : memref<16x2048xf32, #tpu.memory_space<vmem>>) dst(%dma_wait3A_136 : memref<16x2048xf32, #tpu.memory_space<hbm>>)
      tpu.yield
    }) : () -> ()
    %add3A_39 = arith.constant 144 : i32
    %add3A_40 = arith.addi %mul3A_2, %add3A_39 : i32
    "tpu.region"() ({
      %run_scoped3A = tpu.sem_alloc : memref<!tpu.dma_semaphore, #tpu.memory_space<semaphore_mem>>
      %dma_start3A = arith.constant 0 : i32
      %dma_start3A_131 = tpu.memref_slice %arg2[%add3A_40, %dma_start3A] : memref<16384x2048xf32, #tpu.memory_space<hbm>> -> memref<16x2048xf32, #tpu.memory_space<hbm>>
      %dma_start3A_132 = arith.constant 0 : i32
      %dma_start3A_133 = tpu.memref_slice %arg2[%add3A_40, %dma_start3A_132] : memref<16384x2048xf32, #tpu.memory_space<hbm>> -> memref<16x2048xf32, #tpu.memory_space<hbm>>
      tpu.enqueue_dma source(%dma_start3A_133 : memref<16x2048xf32, #tpu.memory_space<hbm>>) target(%arg4 : memref<16x2048xf32, #tpu.memory_space<vmem>>) target_semaphore(%run_scoped3A : memref<!tpu.dma_semaphore, #tpu.memory_space<semaphore_mem>>)
      %dma_wait3A = arith.constant 0 : i32
      %dma_wait3A_134 = tpu.memref_slice %arg2[%add3A_40, %dma_wait3A] : memref<16384x2048xf32, #tpu.memory_space<hbm>> -> memref<16x2048xf32, #tpu.memory_space<hbm>>
      %dma_wait3A_135 = arith.constant 0 : i32
      %dma_wait3A_136 = tpu.memref_slice %arg2[%add3A_40, %dma_wait3A_135] : memref<16384x2048xf32, #tpu.memory_space<hbm>> -> memref<16x2048xf32, #tpu.memory_space<hbm>>
      tpu.wait_dma2 semaphore(%run_scoped3A : memref<!tpu.dma_semaphore, #tpu.memory_space<semaphore_mem>>) src(%dma_wait3A_136 : memref<16x2048xf32, #tpu.memory_space<hbm>>) dst(%arg4 : memref<16x2048xf32, #tpu.memory_space<vmem>>)
      tpu.yield
    }) : () -> ()
    %add3A_41 = arith.constant 144 : i32
    %add3A_42 = arith.addi %mul3A_2, %add3A_41 : i32
    "tpu.region"() ({
      %run_scoped3A = tpu.sem_alloc : memref<!tpu.dma_semaphore, #tpu.memory_space<semaphore_mem>>
      %dma_start3A = arith.constant 0 : i32
      %dma_start3A_131 = tpu.memref_slice %arg3[%add3A_42, %dma_start3A] : memref<16384x2048xf32, #tpu.memory_space<hbm>> -> memref<16x2048xf32, #tpu.memory_space<hbm>>
      %dma_start3A_132 = arith.constant 0 : i32
      %dma_start3A_133 = tpu.memref_slice %arg3[%add3A_42, %dma_start3A_132] : memref<16384x2048xf32, #tpu.memory_space<hbm>> -> memref<16x2048xf32, #tpu.memory_space<hbm>>
      tpu.enqueue_dma source(%arg4 : memref<16x2048xf32, #tpu.memory_space<vmem>>) target(%dma_start3A_133 : memref<16x2048xf32, #tpu.memory_space<hbm>>) target_semaphore(%run_scoped3A : memref<!tpu.dma_semaphore, #tpu.memory_space<semaphore_mem>>)
      %dma_wait3A = arith.constant 0 : i32
      %dma_wait3A_134 = tpu.memref_slice %arg3[%add3A_42, %dma_wait3A] : memref<16384x2048xf32, #tpu.memory_space<hbm>> -> memref<16x2048xf32, #tpu.memory_space<hbm>>
      %dma_wait3A_135 = arith.constant 0 : i32
      %dma_wait3A_136 = tpu.memref_slice %arg3[%add3A_42, %dma_wait3A_135] : memref<16384x2048xf32, #tpu.memory_space<hbm>> -> memref<16x2048xf32, #tpu.memory_space<hbm>>
      tpu.wait_dma2 semaphore(%run_scoped3A : memref<!tpu.dma_semaphore, #tpu.memory_space<semaphore_mem>>) src(%arg4 : memref<16x2048xf32, #tpu.memory_space<vmem>>) dst(%dma_wait3A_136 : memref<16x2048xf32, #tpu.memory_space<hbm>>)
      tpu.yield
    }) : () -> ()
    %add3A_43 = arith.constant 160 : i32
    %add3A_44 = arith.addi %mul3A_2, %add3A_43 : i32
    "tpu.region"() ({
      %run_scoped3A = tpu.sem_alloc : memref<!tpu.dma_semaphore, #tpu.memory_space<semaphore_mem>>
      %dma_start3A = arith.constant 0 : i32
      %dma_start3A_131 = tpu.memref_slice %arg2[%add3A_44, %dma_start3A] : memref<16384x2048xf32, #tpu.memory_space<hbm>> -> memref<16x2048xf32, #tpu.memory_space<hbm>>
      %dma_start3A_132 = arith.constant 0 : i32
      %dma_start3A_133 = tpu.memref_slice %arg2[%add3A_44, %dma_start3A_132] : memref<16384x2048xf32, #tpu.memory_space<hbm>> -> memref<16x2048xf32, #tpu.memory_space<hbm>>
      tpu.enqueue_dma source(%dma_start3A_133 : memref<16x2048xf32, #tpu.memory_space<hbm>>) target(%arg4 : memref<16x2048xf32, #tpu.memory_space<vmem>>) target_semaphore(%run_scoped3A : memref<!tpu.dma_semaphore, #tpu.memory_space<semaphore_mem>>)
      %dma_wait3A = arith.constant 0 : i32
      %dma_wait3A_134 = tpu.memref_slice %arg2[%add3A_44, %dma_wait3A] : memref<16384x2048xf32, #tpu.memory_space<hbm>> -> memref<16x2048xf32, #tpu.memory_space<hbm>>
      %dma_wait3A_135 = arith.constant 0 : i32
      %dma_wait3A_136 = tpu.memref_slice %arg2[%add3A_44, %dma_wait3A_135] : memref<16384x2048xf32, #tpu.memory_space<hbm>> -> memref<16x2048xf32, #tpu.memory_space<hbm>>
      tpu.wait_dma2 semaphore(%run_scoped3A : memref<!tpu.dma_semaphore, #tpu.memory_space<semaphore_mem>>) src(%dma_wait3A_136 : memref<16x2048xf32, #tpu.memory_space<hbm>>) dst(%arg4 : memref<16x2048xf32, #tpu.memory_space<vmem>>)
      tpu.yield
    }) : () -> ()
    %add3A_45 = arith.constant 160 : i32
    %add3A_46 = arith.addi %mul3A_2, %add3A_45 : i32
    "tpu.region"() ({
      %run_scoped3A = tpu.sem_alloc : memref<!tpu.dma_semaphore, #tpu.memory_space<semaphore_mem>>
      %dma_start3A = arith.constant 0 : i32
      %dma_start3A_131 = tpu.memref_slice %arg3[%add3A_46, %dma_start3A] : memref<16384x2048xf32, #tpu.memory_space<hbm>> -> memref<16x2048xf32, #tpu.memory_space<hbm>>
      %dma_start3A_132 = arith.constant 0 : i32
      %dma_start3A_133 = tpu.memref_slice %arg3[%add3A_46, %dma_start3A_132] : memref<16384x2048xf32, #tpu.memory_space<hbm>> -> memref<16x2048xf32, #tpu.memory_space<hbm>>
      tpu.enqueue_dma source(%arg4 : memref<16x2048xf32, #tpu.memory_space<vmem>>) target(%dma_start3A_133 : memref<16x2048xf32, #tpu.memory_space<hbm>>) target_semaphore(%run_scoped3A : memref<!tpu.dma_semaphore, #tpu.memory_space<semaphore_mem>>)
      %dma_wait3A = arith.constant 0 : i32
      %dma_wait3A_134 = tpu.memref_slice %arg3[%add3A_46, %dma_wait3A] : memref<16384x2048xf32, #tpu.memory_space<hbm>> -> memref<16x2048xf32, #tpu.memory_space<hbm>>
      %dma_wait3A_135 = arith.constant 0 : i32
      %dma_wait3A_136 = tpu.memref_slice %arg3[%add3A_46, %dma_wait3A_135] : memref<16384x2048xf32, #tpu.memory_space<hbm>> -> memref<16x2048xf32, #tpu.memory_space<hbm>>
      tpu.wait_dma2 semaphore(%run_scoped3A : memref<!tpu.dma_semaphore, #tpu.memory_space<semaphore_mem>>) src(%arg4 : memref<16x2048xf32, #tpu.memory_space<vmem>>) dst(%dma_wait3A_136 : memref<16x2048xf32, #tpu.memory_space<hbm>>)
      tpu.yield
    }) : () -> ()
    %add3A_47 = arith.constant 176 : i32
    %add3A_48 = arith.addi %mul3A_2, %add3A_47 : i32
    "tpu.region"() ({
      %run_scoped3A = tpu.sem_alloc : memref<!tpu.dma_semaphore, #tpu.memory_space<semaphore_mem>>
      %dma_start3A = arith.constant 0 : i32
      %dma_start3A_131 = tpu.memref_slice %arg2[%add3A_48, %dma_start3A] : memref<16384x2048xf32, #tpu.memory_space<hbm>> -> memref<16x2048xf32, #tpu.memory_space<hbm>>
      %dma_start3A_132 = arith.constant 0 : i32
      %dma_start3A_133 = tpu.memref_slice %arg2[%add3A_48, %dma_start3A_132] : memref<16384x2048xf32, #tpu.memory_space<hbm>> -> memref<16x2048xf32, #tpu.memory_space<hbm>>
      tpu.enqueue_dma source(%dma_start3A_133 : memref<16x2048xf32, #tpu.memory_space<hbm>>) target(%arg4 : memref<16x2048xf32, #tpu.memory_space<vmem>>) target_semaphore(%run_scoped3A : memref<!tpu.dma_semaphore, #tpu.memory_space<semaphore_mem>>)
      %dma_wait3A = arith.constant 0 : i32
      %dma_wait3A_134 = tpu.memref_slice %arg2[%add3A_48, %dma_wait3A] : memref<16384x2048xf32, #tpu.memory_space<hbm>> -> memref<16x2048xf32, #tpu.memory_space<hbm>>
      %dma_wait3A_135 = arith.constant 0 : i32
      %dma_wait3A_136 = tpu.memref_slice %arg2[%add3A_48, %dma_wait3A_135] : memref<16384x2048xf32, #tpu.memory_space<hbm>> -> memref<16x2048xf32, #tpu.memory_space<hbm>>
      tpu.wait_dma2 semaphore(%run_scoped3A : memref<!tpu.dma_semaphore, #tpu.memory_space<semaphore_mem>>) src(%dma_wait3A_136 : memref<16x2048xf32, #tpu.memory_space<hbm>>) dst(%arg4 : memref<16x2048xf32, #tpu.memory_space<vmem>>)
      tpu.yield
    }) : () -> ()
    %add3A_49 = arith.constant 176 : i32
    %add3A_50 = arith.addi %mul3A_2, %add3A_49 : i32
    "tpu.region"() ({
      %run_scoped3A = tpu.sem_alloc : memref<!tpu.dma_semaphore, #tpu.memory_space<semaphore_mem>>
      %dma_start3A = arith.constant 0 : i32
      %dma_start3A_131 = tpu.memref_slice %arg3[%add3A_50, %dma_start3A] : memref<16384x2048xf32, #tpu.memory_space<hbm>> -> memref<16x2048xf32, #tpu.memory_space<hbm>>
      %dma_start3A_132 = arith.constant 0 : i32
      %dma_start3A_133 = tpu.memref_slice %arg3[%add3A_50, %dma_start3A_132] : memref<16384x2048xf32, #tpu.memory_space<hbm>> -> memref<16x2048xf32, #tpu.memory_space<hbm>>
      tpu.enqueue_dma source(%arg4 : memref<16x2048xf32, #tpu.memory_space<vmem>>) target(%dma_start3A_133 : memref<16x2048xf32, #tpu.memory_space<hbm>>) target_semaphore(%run_scoped3A : memref<!tpu.dma_semaphore, #tpu.memory_space<semaphore_mem>>)
      %dma_wait3A = arith.constant 0 : i32
      %dma_wait3A_134 = tpu.memref_slice %arg3[%add3A_50, %dma_wait3A] : memref<16384x2048xf32, #tpu.memory_space<hbm>> -> memref<16x2048xf32, #tpu.memory_space<hbm>>
      %dma_wait3A_135 = arith.constant 0 : i32
      %dma_wait3A_136 = tpu.memref_slice %arg3[%add3A_50, %dma_wait3A_135] : memref<16384x2048xf32, #tpu.memory_space<hbm>> -> memref<16x2048xf32, #tpu.memory_space<hbm>>
      tpu.wait_dma2 semaphore(%run_scoped3A : memref<!tpu.dma_semaphore, #tpu.memory_space<semaphore_mem>>) src(%arg4 : memref<16x2048xf32, #tpu.memory_space<vmem>>) dst(%dma_wait3A_136 : memref<16x2048xf32, #tpu.memory_space<hbm>>)
      tpu.yield
    }) : () -> ()
    %add3A_51 = arith.constant 192 : i32
    %add3A_52 = arith.addi %mul3A_2, %add3A_51 : i32
    "tpu.region"() ({
      %run_scoped3A = tpu.sem_alloc : memref<!tpu.dma_semaphore, #tpu.memory_space<semaphore_mem>>
      %dma_start3A = arith.constant 0 : i32
      %dma_start3A_131 = tpu.memref_slice %arg2[%add3A_52, %dma_start3A] : memref<16384x2048xf32, #tpu.memory_space<hbm>> -> memref<16x2048xf32, #tpu.memory_space<hbm>>
      %dma_start3A_132 = arith.constant 0 : i32
      %dma_start3A_133 = tpu.memref_slice %arg2[%add3A_52, %dma_start3A_132] : memref<16384x2048xf32, #tpu.memory_space<hbm>> -> memref<16x2048xf32, #tpu.memory_space<hbm>>
      tpu.enqueue_dma source(%dma_start3A_133 : memref<16x2048xf32, #tpu.memory_space<hbm>>) target(%arg4 : memref<16x2048xf32, #tpu.memory_space<vmem>>) target_semaphore(%run_scoped3A : memref<!tpu.dma_semaphore, #tpu.memory_space<semaphore_mem>>)
      %dma_wait3A = arith.constant 0 : i32
      %dma_wait3A_134 = tpu.memref_slice %arg2[%add3A_52, %dma_wait3A] : memref<16384x2048xf32, #tpu.memory_space<hbm>> -> memref<16x2048xf32, #tpu.memory_space<hbm>>
      %dma_wait3A_135 = arith.constant 0 : i32
      %dma_wait3A_136 = tpu.memref_slice %arg2[%add3A_52, %dma_wait3A_135] : memref<16384x2048xf32, #tpu.memory_space<hbm>> -> memref<16x2048xf32, #tpu.memory_space<hbm>>
      tpu.wait_dma2 semaphore(%run_scoped3A : memref<!tpu.dma_semaphore, #tpu.memory_space<semaphore_mem>>) src(%dma_wait3A_136 : memref<16x2048xf32, #tpu.memory_space<hbm>>) dst(%arg4 : memref<16x2048xf32, #tpu.memory_space<vmem>>)
      tpu.yield
    }) : () -> ()
    %add3A_53 = arith.constant 192 : i32
    %add3A_54 = arith.addi %mul3A_2, %add3A_53 : i32
    "tpu.region"() ({
      %run_scoped3A = tpu.sem_alloc : memref<!tpu.dma_semaphore, #tpu.memory_space<semaphore_mem>>
      %dma_start3A = arith.constant 0 : i32
      %dma_start3A_131 = tpu.memref_slice %arg3[%add3A_54, %dma_start3A] : memref<16384x2048xf32, #tpu.memory_space<hbm>> -> memref<16x2048xf32, #tpu.memory_space<hbm>>
      %dma_start3A_132 = arith.constant 0 : i32
      %dma_start3A_133 = tpu.memref_slice %arg3[%add3A_54, %dma_start3A_132] : memref<16384x2048xf32, #tpu.memory_space<hbm>> -> memref<16x2048xf32, #tpu.memory_space<hbm>>
      tpu.enqueue_dma source(%arg4 : memref<16x2048xf32, #tpu.memory_space<vmem>>) target(%dma_start3A_133 : memref<16x2048xf32, #tpu.memory_space<hbm>>) target_semaphore(%run_scoped3A : memref<!tpu.dma_semaphore, #tpu.memory_space<semaphore_mem>>)
      %dma_wait3A = arith.constant 0 : i32
      %dma_wait3A_134 = tpu.memref_slice %arg3[%add3A_54, %dma_wait3A] : memref<16384x2048xf32, #tpu.memory_space<hbm>> -> memref<16x2048xf32, #tpu.memory_space<hbm>>
      %dma_wait3A_135 = arith.constant 0 : i32
      %dma_wait3A_136 = tpu.memref_slice %arg3[%add3A_54, %dma_wait3A_135] : memref<16384x2048xf32, #tpu.memory_space<hbm>> -> memref<16x2048xf32, #tpu.memory_space<hbm>>
      tpu.wait_dma2 semaphore(%run_scoped3A : memref<!tpu.dma_semaphore, #tpu.memory_space<semaphore_mem>>) src(%arg4 : memref<16x2048xf32, #tpu.memory_space<vmem>>) dst(%dma_wait3A_136 : memref<16x2048xf32, #tpu.memory_space<hbm>>)
      tpu.yield
    }) : () -> ()
    %add3A_55 = arith.constant 208 : i32
    %add3A_56 = arith.addi %mul3A_2, %add3A_55 : i32
    "tpu.region"() ({
      %run_scoped3A = tpu.sem_alloc : memref<!tpu.dma_semaphore, #tpu.memory_space<semaphore_mem>>
      %dma_start3A = arith.constant 0 : i32
      %dma_start3A_131 = tpu.memref_slice %arg2[%add3A_56, %dma_start3A] : memref<16384x2048xf32, #tpu.memory_space<hbm>> -> memref<16x2048xf32, #tpu.memory_space<hbm>>
      %dma_start3A_132 = arith.constant 0 : i32
      %dma_start3A_133 = tpu.memref_slice %arg2[%add3A_56, %dma_start3A_132] : memref<16384x2048xf32, #tpu.memory_space<hbm>> -> memref<16x2048xf32, #tpu.memory_space<hbm>>
      tpu.enqueue_dma source(%dma_start3A_133 : memref<16x2048xf32, #tpu.memory_space<hbm>>) target(%arg4 : memref<16x2048xf32, #tpu.memory_space<vmem>>) target_semaphore(%run_scoped3A : memref<!tpu.dma_semaphore, #tpu.memory_space<semaphore_mem>>)
      %dma_wait3A = arith.constant 0 : i32
      %dma_wait3A_134 = tpu.memref_slice %arg2[%add3A_56, %dma_wait3A] : memref<16384x2048xf32, #tpu.memory_space<hbm>> -> memref<16x2048xf32, #tpu.memory_space<hbm>>
      %dma_wait3A_135 = arith.constant 0 : i32
      %dma_wait3A_136 = tpu.memref_slice %arg2[%add3A_56, %dma_wait3A_135] : memref<16384x2048xf32, #tpu.memory_space<hbm>> -> memref<16x2048xf32, #tpu.memory_space<hbm>>
      tpu.wait_dma2 semaphore(%run_scoped3A : memref<!tpu.dma_semaphore, #tpu.memory_space<semaphore_mem>>) src(%dma_wait3A_136 : memref<16x2048xf32, #tpu.memory_space<hbm>>) dst(%arg4 : memref<16x2048xf32, #tpu.memory_space<vmem>>)
      tpu.yield
    }) : () -> ()
    %add3A_57 = arith.constant 208 : i32
    %add3A_58 = arith.addi %mul3A_2, %add3A_57 : i32
    "tpu.region"() ({
      %run_scoped3A = tpu.sem_alloc : memref<!tpu.dma_semaphore, #tpu.memory_space<semaphore_mem>>
      %dma_start3A = arith.constant 0 : i32
      %dma_start3A_131 = tpu.memref_slice %arg3[%add3A_58, %dma_start3A] : memref<16384x2048xf32, #tpu.memory_space<hbm>> -> memref<16x2048xf32, #tpu.memory_space<hbm>>
      %dma_start3A_132 = arith.constant 0 : i32
      %dma_start3A_133 = tpu.memref_slice %arg3[%add3A_58, %dma_start3A_132] : memref<16384x2048xf32, #tpu.memory_space<hbm>> -> memref<16x2048xf32, #tpu.memory_space<hbm>>
      tpu.enqueue_dma source(%arg4 : memref<16x2048xf32, #tpu.memory_space<vmem>>) target(%dma_start3A_133 : memref<16x2048xf32, #tpu.memory_space<hbm>>) target_semaphore(%run_scoped3A : memref<!tpu.dma_semaphore, #tpu.memory_space<semaphore_mem>>)
      %dma_wait3A = arith.constant 0 : i32
      %dma_wait3A_134 = tpu.memref_slice %arg3[%add3A_58, %dma_wait3A] : memref<16384x2048xf32, #tpu.memory_space<hbm>> -> memref<16x2048xf32, #tpu.memory_space<hbm>>
      %dma_wait3A_135 = arith.constant 0 : i32
      %dma_wait3A_136 = tpu.memref_slice %arg3[%add3A_58, %dma_wait3A_135] : memref<16384x2048xf32, #tpu.memory_space<hbm>> -> memref<16x2048xf32, #tpu.memory_space<hbm>>
      tpu.wait_dma2 semaphore(%run_scoped3A : memref<!tpu.dma_semaphore, #tpu.memory_space<semaphore_mem>>) src(%arg4 : memref<16x2048xf32, #tpu.memory_space<vmem>>) dst(%dma_wait3A_136 : memref<16x2048xf32, #tpu.memory_space<hbm>>)
      tpu.yield
    }) : () -> ()
    %add3A_59 = arith.constant 224 : i32
    %add3A_60 = arith.addi %mul3A_2, %add3A_59 : i32
    "tpu.region"() ({
      %run_scoped3A = tpu.sem_alloc : memref<!tpu.dma_semaphore, #tpu.memory_space<semaphore_mem>>
      %dma_start3A = arith.constant 0 : i32
      %dma_start3A_131 = tpu.memref_slice %arg2[%add3A_60, %dma_start3A] : memref<16384x2048xf32, #tpu.memory_space<hbm>> -> memref<16x2048xf32, #tpu.memory_space<hbm>>
      %dma_start3A_132 = arith.constant 0 : i32
      %dma_start3A_133 = tpu.memref_slice %arg2[%add3A_60, %dma_start3A_132] : memref<16384x2048xf32, #tpu.memory_space<hbm>> -> memref<16x2048xf32, #tpu.memory_space<hbm>>
      tpu.enqueue_dma source(%dma_start3A_133 : memref<16x2048xf32, #tpu.memory_space<hbm>>) target(%arg4 : memref<16x2048xf32, #tpu.memory_space<vmem>>) target_semaphore(%run_scoped3A : memref<!tpu.dma_semaphore, #tpu.memory_space<semaphore_mem>>)
      %dma_wait3A = arith.constant 0 : i32
      %dma_wait3A_134 = tpu.memref_slice %arg2[%add3A_60, %dma_wait3A] : memref<16384x2048xf32, #tpu.memory_space<hbm>> -> memref<16x2048xf32, #tpu.memory_space<hbm>>
      %dma_wait3A_135 = arith.constant 0 : i32
      %dma_wait3A_136 = tpu.memref_slice %arg2[%add3A_60, %dma_wait3A_135] : memref<16384x2048xf32, #tpu.memory_space<hbm>> -> memref<16x2048xf32, #tpu.memory_space<hbm>>
      tpu.wait_dma2 semaphore(%run_scoped3A : memref<!tpu.dma_semaphore, #tpu.memory_space<semaphore_mem>>) src(%dma_wait3A_136 : memref<16x2048xf32, #tpu.memory_space<hbm>>) dst(%arg4 : memref<16x2048xf32, #tpu.memory_space<vmem>>)
      tpu.yield
    }) : () -> ()
    %add3A_61 = arith.constant 224 : i32
    %add3A_62 = arith.addi %mul3A_2, %add3A_61 : i32
    "tpu.region"() ({
      %run_scoped3A = tpu.sem_alloc : memref<!tpu.dma_semaphore, #tpu.memory_space<semaphore_mem>>
      %dma_start3A = arith.constant 0 : i32
      %dma_start3A_131 = tpu.memref_slice %arg3[%add3A_62, %dma_start3A] : memref<16384x2048xf32, #tpu.memory_space<hbm>> -> memref<16x2048xf32, #tpu.memory_space<hbm>>
      %dma_start3A_132 = arith.constant 0 : i32
      %dma_start3A_133 = tpu.memref_slice %arg3[%add3A_62, %dma_start3A_132] : memref<16384x2048xf32, #tpu.memory_space<hbm>> -> memref<16x2048xf32, #tpu.memory_space<hbm>>
      tpu.enqueue_dma source(%arg4 : memref<16x2048xf32, #tpu.memory_space<vmem>>) target(%dma_start3A_133 : memref<16x2048xf32, #tpu.memory_space<hbm>>) target_semaphore(%run_scoped3A : memref<!tpu.dma_semaphore, #tpu.memory_space<semaphore_mem>>)
      %dma_wait3A = arith.constant 0 : i32
      %dma_wait3A_134 = tpu.memref_slice %arg3[%add3A_62, %dma_wait3A] : memref<16384x2048xf32, #tpu.memory_space<hbm>> -> memref<16x2048xf32, #tpu.memory_space<hbm>>
      %dma_wait3A_135 = arith.constant 0 : i32
      %dma_wait3A_136 = tpu.memref_slice %arg3[%add3A_62, %dma_wait3A_135] : memref<16384x2048xf32, #tpu.memory_space<hbm>> -> memref<16x2048xf32, #tpu.memory_space<hbm>>
      tpu.wait_dma2 semaphore(%run_scoped3A : memref<!tpu.dma_semaphore, #tpu.memory_space<semaphore_mem>>) src(%arg4 : memref<16x2048xf32, #tpu.memory_space<vmem>>) dst(%dma_wait3A_136 : memref<16x2048xf32, #tpu.memory_space<hbm>>)
      tpu.yield
    }) : () -> ()
    %add3A_63 = arith.constant 240 : i32
    %add3A_64 = arith.addi %mul3A_2, %add3A_63 : i32
    "tpu.region"() ({
      %run_scoped3A = tpu.sem_alloc : memref<!tpu.dma_semaphore, #tpu.memory_space<semaphore_mem>>
      %dma_start3A = arith.constant 0 : i32
      %dma_start3A_131 = tpu.memref_slice %arg2[%add3A_64, %dma_start3A] : memref<16384x2048xf32, #tpu.memory_space<hbm>> -> memref<16x2048xf32, #tpu.memory_space<hbm>>
      %dma_start3A_132 = arith.constant 0 : i32
      %dma_start3A_133 = tpu.memref_slice %arg2[%add3A_64, %dma_start3A_132] : memref<16384x2048xf32, #tpu.memory_space<hbm>> -> memref<16x2048xf32, #tpu.memory_space<hbm>>
      tpu.enqueue_dma source(%dma_start3A_133 : memref<16x2048xf32, #tpu.memory_space<hbm>>) target(%arg4 : memref<16x2048xf32, #tpu.memory_space<vmem>>) target_semaphore(%run_scoped3A : memref<!tpu.dma_semaphore, #tpu.memory_space<semaphore_mem>>)
      %dma_wait3A = arith.constant 0 : i32
      %dma_wait3A_134 = tpu.memref_slice %arg2[%add3A_64, %dma_wait3A] : memref<16384x2048xf32, #tpu.memory_space<hbm>> -> memref<16x2048xf32, #tpu.memory_space<hbm>>
      %dma_wait3A_135 = arith.constant 0 : i32
      %dma_wait3A_136 = tpu.memref_slice %arg2[%add3A_64, %dma_wait3A_135] : memref<16384x2048xf32, #tpu.memory_space<hbm>> -> memref<16x2048xf32, #tpu.memory_space<hbm>>
      tpu.wait_dma2 semaphore(%run_scoped3A : memref<!tpu.dma_semaphore, #tpu.memory_space<semaphore_mem>>) src(%dma_wait3A_136 : memref<16x2048xf32, #tpu.memory_space<hbm>>) dst(%arg4 : memref<16x2048xf32, #tpu.memory_space<vmem>>)
      tpu.yield
    }) : () -> ()
    %add3A_65 = arith.constant 240 : i32
    %add3A_66 = arith.addi %mul3A_2, %add3A_65 : i32
    "tpu.region"() ({
      %run_scoped3A = tpu.sem_alloc : memref<!tpu.dma_semaphore, #tpu.memory_space<semaphore_mem>>
      %dma_start3A = arith.constant 0 : i32
      %dma_start3A_131 = tpu.memref_slice %arg3[%add3A_66, %dma_start3A] : memref<16384x2048xf32, #tpu.memory_space<hbm>> -> memref<16x2048xf32, #tpu.memory_space<hbm>>
      %dma_start3A_132 = arith.constant 0 : i32
      %dma_start3A_133 = tpu.memref_slice %arg3[%add3A_66, %dma_start3A_132] : memref<16384x2048xf32, #tpu.memory_space<hbm>> -> memref<16x2048xf32, #tpu.memory_space<hbm>>
      tpu.enqueue_dma source(%arg4 : memref<16x2048xf32, #tpu.memory_space<vmem>>) target(%dma_start3A_133 : memref<16x2048xf32, #tpu.memory_space<hbm>>) target_semaphore(%run_scoped3A : memref<!tpu.dma_semaphore, #tpu.memory_space<semaphore_mem>>)
      %dma_wait3A = arith.constant 0 : i32
      %dma_wait3A_134 = tpu.memref_slice %arg3[%add3A_66, %dma_wait3A] : memref<16384x2048xf32, #tpu.memory_space<hbm>> -> memref<16x2048xf32, #tpu.memory_space<hbm>>
      %dma_wait3A_135 = arith.constant 0 : i32
      %dma_wait3A_136 = tpu.memref_slice %arg3[%add3A_66, %dma_wait3A_135] : memref<16384x2048xf32, #tpu.memory_space<hbm>> -> memref<16x2048xf32, #tpu.memory_space<hbm>>
      tpu.wait_dma2 semaphore(%run_scoped3A : memref<!tpu.dma_semaphore, #tpu.memory_space<semaphore_mem>>) src(%arg4 : memref<16x2048xf32, #tpu.memory_space<vmem>>) dst(%dma_wait3A_136 : memref<16x2048xf32, #tpu.memory_space<hbm>>)
      tpu.yield
    }) : () -> ()
    %add3A_67 = arith.constant 256 : i32
    %add3A_68 = arith.addi %mul3A_2, %add3A_67 : i32
    "tpu.region"() ({
      %run_scoped3A = tpu.sem_alloc : memref<!tpu.dma_semaphore, #tpu.memory_space<semaphore_mem>>
      %dma_start3A = arith.constant 0 : i32
      %dma_start3A_131 = tpu.memref_slice %arg2[%add3A_68, %dma_start3A] : memref<16384x2048xf32, #tpu.memory_space<hbm>> -> memref<16x2048xf32, #tpu.memory_space<hbm>>
      %dma_start3A_132 = arith.constant 0 : i32
      %dma_start3A_133 = tpu.memref_slice %arg2[%add3A_68, %dma_start3A_132] : memref<16384x2048xf32, #tpu.memory_space<hbm>> -> memref<16x2048xf32, #tpu.memory_space<hbm>>
      tpu.enqueue_dma source(%dma_start3A_133 : memref<16x2048xf32, #tpu.memory_space<hbm>>) target(%arg4 : memref<16x2048xf32, #tpu.memory_space<vmem>>) target_semaphore(%run_scoped3A : memref<!tpu.dma_semaphore, #tpu.memory_space<semaphore_mem>>)
      %dma_wait3A = arith.constant 0 : i32
      %dma_wait3A_134 = tpu.memref_slice %arg2[%add3A_68, %dma_wait3A] : memref<16384x2048xf32, #tpu.memory_space<hbm>> -> memref<16x2048xf32, #tpu.memory_space<hbm>>
      %dma_wait3A_135 = arith.constant 0 : i32
      %dma_wait3A_136 = tpu.memref_slice %arg2[%add3A_68, %dma_wait3A_135] : memref<16384x2048xf32, #tpu.memory_space<hbm>> -> memref<16x2048xf32, #tpu.memory_space<hbm>>
      tpu.wait_dma2 semaphore(%run_scoped3A : memref<!tpu.dma_semaphore, #tpu.memory_space<semaphore_mem>>) src(%dma_wait3A_136 : memref<16x2048xf32, #tpu.memory_space<hbm>>) dst(%arg4 : memref<16x2048xf32, #tpu.memory_space<vmem>>)
      tpu.yield
    }) : () -> ()
    %add3A_69 = arith.constant 256 : i32
    %add3A_70 = arith.addi %mul3A_2, %add3A_69 : i32
    "tpu.region"() ({
      %run_scoped3A = tpu.sem_alloc : memref<!tpu.dma_semaphore, #tpu.memory_space<semaphore_mem>>
      %dma_start3A = arith.constant 0 : i32
      %dma_start3A_131 = tpu.memref_slice %arg3[%add3A_70, %dma_start3A] : memref<16384x2048xf32, #tpu.memory_space<hbm>> -> memref<16x2048xf32, #tpu.memory_space<hbm>>
      %dma_start3A_132 = arith.constant 0 : i32
      %dma_start3A_133 = tpu.memref_slice %arg3[%add3A_70, %dma_start3A_132] : memref<16384x2048xf32, #tpu.memory_space<hbm>> -> memref<16x2048xf32, #tpu.memory_space<hbm>>
      tpu.enqueue_dma source(%arg4 : memref<16x2048xf32, #tpu.memory_space<vmem>>) target(%dma_start3A_133 : memref<16x2048xf32, #tpu.memory_space<hbm>>) target_semaphore(%run_scoped3A : memref<!tpu.dma_semaphore, #tpu.memory_space<semaphore_mem>>)
      %dma_wait3A = arith.constant 0 : i32
      %dma_wait3A_134 = tpu.memref_slice %arg3[%add3A_70, %dma_wait3A] : memref<16384x2048xf32, #tpu.memory_space<hbm>> -> memref<16x2048xf32, #tpu.memory_space<hbm>>
      %dma_wait3A_135 = arith.constant 0 : i32
      %dma_wait3A_136 = tpu.memref_slice %arg3[%add3A_70, %dma_wait3A_135] : memref<16384x2048xf32, #tpu.memory_space<hbm>> -> memref<16x2048xf32, #tpu.memory_space<hbm>>
      tpu.wait_dma2 semaphore(%run_scoped3A : memref<!tpu.dma_semaphore, #tpu.memory_space<semaphore_mem>>) src(%arg4 : memref<16x2048xf32, #tpu.memory_space<vmem>>) dst(%dma_wait3A_136 : memref<16x2048xf32, #tpu.memory_space<hbm>>)
      tpu.yield
    }) : () -> ()
    %add3A_71 = arith.constant 272 : i32
    %add3A_72 = arith.addi %mul3A_2, %add3A_71 : i32
    "tpu.region"() ({
      %run_scoped3A = tpu.sem_alloc : memref<!tpu.dma_semaphore, #tpu.memory_space<semaphore_mem>>
      %dma_start3A = arith.constant 0 : i32
      %dma_start3A_131 = tpu.memref_slice %arg2[%add3A_72, %dma_start3A] : memref<16384x2048xf32, #tpu.memory_space<hbm>> -> memref<16x2048xf32, #tpu.memory_space<hbm>>
      %dma_start3A_132 = arith.constant 0 : i32
      %dma_start3A_133 = tpu.memref_slice %arg2[%add3A_72, %dma_start3A_132] : memref<16384x2048xf32, #tpu.memory_space<hbm>> -> memref<16x2048xf32, #tpu.memory_space<hbm>>
      tpu.enqueue_dma source(%dma_start3A_133 : memref<16x2048xf32, #tpu.memory_space<hbm>>) target(%arg4 : memref<16x2048xf32, #tpu.memory_space<vmem>>) target_semaphore(%run_scoped3A : memref<!tpu.dma_semaphore, #tpu.memory_space<semaphore_mem>>)
      %dma_wait3A = arith.constant 0 : i32
      %dma_wait3A_134 = tpu.memref_slice %arg2[%add3A_72, %dma_wait3A] : memref<16384x2048xf32, #tpu.memory_space<hbm>> -> memref<16x2048xf32, #tpu.memory_space<hbm>>
      %dma_wait3A_135 = arith.constant 0 : i32
      %dma_wait3A_136 = tpu.memref_slice %arg2[%add3A_72, %dma_wait3A_135] : memref<16384x2048xf32, #tpu.memory_space<hbm>> -> memref<16x2048xf32, #tpu.memory_space<hbm>>
      tpu.wait_dma2 semaphore(%run_scoped3A : memref<!tpu.dma_semaphore, #tpu.memory_space<semaphore_mem>>) src(%dma_wait3A_136 : memref<16x2048xf32, #tpu.memory_space<hbm>>) dst(%arg4 : memref<16x2048xf32, #tpu.memory_space<vmem>>)
      tpu.yield
    }) : () -> ()
    %add3A_73 = arith.constant 272 : i32
    %add3A_74 = arith.addi %mul3A_2, %add3A_73 : i32
    "tpu.region"() ({
      %run_scoped3A = tpu.sem_alloc : memref<!tpu.dma_semaphore, #tpu.memory_space<semaphore_mem>>
      %dma_start3A = arith.constant 0 : i32
      %dma_start3A_131 = tpu.memref_slice %arg3[%add3A_74, %dma_start3A] : memref<16384x2048xf32, #tpu.memory_space<hbm>> -> memref<16x2048xf32, #tpu.memory_space<hbm>>
      %dma_start3A_132 = arith.constant 0 : i32
      %dma_start3A_133 = tpu.memref_slice %arg3[%add3A_74, %dma_start3A_132] : memref<16384x2048xf32, #tpu.memory_space<hbm>> -> memref<16x2048xf32, #tpu.memory_space<hbm>>
      tpu.enqueue_dma source(%arg4 : memref<16x2048xf32, #tpu.memory_space<vmem>>) target(%dma_start3A_133 : memref<16x2048xf32, #tpu.memory_space<hbm>>) target_semaphore(%run_scoped3A : memref<!tpu.dma_semaphore, #tpu.memory_space<semaphore_mem>>)
      %dma_wait3A = arith.constant 0 : i32
      %dma_wait3A_134 = tpu.memref_slice %arg3[%add3A_74, %dma_wait3A] : memref<16384x2048xf32, #tpu.memory_space<hbm>> -> memref<16x2048xf32, #tpu.memory_space<hbm>>
      %dma_wait3A_135 = arith.constant 0 : i32
      %dma_wait3A_136 = tpu.memref_slice %arg3[%add3A_74, %dma_wait3A_135] : memref<16384x2048xf32, #tpu.memory_space<hbm>> -> memref<16x2048xf32, #tpu.memory_space<hbm>>
      tpu.wait_dma2 semaphore(%run_scoped3A : memref<!tpu.dma_semaphore, #tpu.memory_space<semaphore_mem>>) src(%arg4 : memref<16x2048xf32, #tpu.memory_space<vmem>>) dst(%dma_wait3A_136 : memref<16x2048xf32, #tpu.memory_space<hbm>>)
      tpu.yield
    }) : () -> ()
    %add3A_75 = arith.constant 288 : i32
    %add3A_76 = arith.addi %mul3A_2, %add3A_75 : i32
    "tpu.region"() ({
      %run_scoped3A = tpu.sem_alloc : memref<!tpu.dma_semaphore, #tpu.memory_space<semaphore_mem>>
      %dma_start3A = arith.constant 0 : i32
      %dma_start3A_131 = tpu.memref_slice %arg2[%add3A_76, %dma_start3A] : memref<16384x2048xf32, #tpu.memory_space<hbm>> -> memref<16x2048xf32, #tpu.memory_space<hbm>>
      %dma_start3A_132 = arith.constant 0 : i32
      %dma_start3A_133 = tpu.memref_slice %arg2[%add3A_76, %dma_start3A_132] : memref<16384x2048xf32, #tpu.memory_space<hbm>> -> memref<16x2048xf32, #tpu.memory_space<hbm>>
      tpu.enqueue_dma source(%dma_start3A_133 : memref<16x2048xf32, #tpu.memory_space<hbm>>) target(%arg4 : memref<16x2048xf32, #tpu.memory_space<vmem>>) target_semaphore(%run_scoped3A : memref<!tpu.dma_semaphore, #tpu.memory_space<semaphore_mem>>)
      %dma_wait3A = arith.constant 0 : i32
      %dma_wait3A_134 = tpu.memref_slice %arg2[%add3A_76, %dma_wait3A] : memref<16384x2048xf32, #tpu.memory_space<hbm>> -> memref<16x2048xf32, #tpu.memory_space<hbm>>
      %dma_wait3A_135 = arith.constant 0 : i32
      %dma_wait3A_136 = tpu.memref_slice %arg2[%add3A_76, %dma_wait3A_135] : memref<16384x2048xf32, #tpu.memory_space<hbm>> -> memref<16x2048xf32, #tpu.memory_space<hbm>>
      tpu.wait_dma2 semaphore(%run_scoped3A : memref<!tpu.dma_semaphore, #tpu.memory_space<semaphore_mem>>) src(%dma_wait3A_136 : memref<16x2048xf32, #tpu.memory_space<hbm>>) dst(%arg4 : memref<16x2048xf32, #tpu.memory_space<vmem>>)
      tpu.yield
    }) : () -> ()
    %add3A_77 = arith.constant 288 : i32
    %add3A_78 = arith.addi %mul3A_2, %add3A_77 : i32
    "tpu.region"() ({
      %run_scoped3A = tpu.sem_alloc : memref<!tpu.dma_semaphore, #tpu.memory_space<semaphore_mem>>
      %dma_start3A = arith.constant 0 : i32
      %dma_start3A_131 = tpu.memref_slice %arg3[%add3A_78, %dma_start3A] : memref<16384x2048xf32, #tpu.memory_space<hbm>> -> memref<16x2048xf32, #tpu.memory_space<hbm>>
      %dma_start3A_132 = arith.constant 0 : i32
      %dma_start3A_133 = tpu.memref_slice %arg3[%add3A_78, %dma_start3A_132] : memref<16384x2048xf32, #tpu.memory_space<hbm>> -> memref<16x2048xf32, #tpu.memory_space<hbm>>
      tpu.enqueue_dma source(%arg4 : memref<16x2048xf32, #tpu.memory_space<vmem>>) target(%dma_start3A_133 : memref<16x2048xf32, #tpu.memory_space<hbm>>) target_semaphore(%run_scoped3A : memref<!tpu.dma_semaphore, #tpu.memory_space<semaphore_mem>>)
      %dma_wait3A = arith.constant 0 : i32
      %dma_wait3A_134 = tpu.memref_slice %arg3[%add3A_78, %dma_wait3A] : memref<16384x2048xf32, #tpu.memory_space<hbm>> -> memref<16x2048xf32, #tpu.memory_space<hbm>>
      %dma_wait3A_135 = arith.constant 0 : i32
      %dma_wait3A_136 = tpu.memref_slice %arg3[%add3A_78, %dma_wait3A_135] : memref<16384x2048xf32, #tpu.memory_space<hbm>> -> memref<16x2048xf32, #tpu.memory_space<hbm>>
      tpu.wait_dma2 semaphore(%run_scoped3A : memref<!tpu.dma_semaphore, #tpu.memory_space<semaphore_mem>>) src(%arg4 : memref<16x2048xf32, #tpu.memory_space<vmem>>) dst(%dma_wait3A_136 : memref<16x2048xf32, #tpu.memory_space<hbm>>)
      tpu.yield
    }) : () -> ()
    %add3A_79 = arith.constant 304 : i32
    %add3A_80 = arith.addi %mul3A_2, %add3A_79 : i32
    "tpu.region"() ({
      %run_scoped3A = tpu.sem_alloc : memref<!tpu.dma_semaphore, #tpu.memory_space<semaphore_mem>>
      %dma_start3A = arith.constant 0 : i32
      %dma_start3A_131 = tpu.memref_slice %arg2[%add3A_80, %dma_start3A] : memref<16384x2048xf32, #tpu.memory_space<hbm>> -> memref<16x2048xf32, #tpu.memory_space<hbm>>
      %dma_start3A_132 = arith.constant 0 : i32
      %dma_start3A_133 = tpu.memref_slice %arg2[%add3A_80, %dma_start3A_132] : memref<16384x2048xf32, #tpu.memory_space<hbm>> -> memref<16x2048xf32, #tpu.memory_space<hbm>>
      tpu.enqueue_dma source(%dma_start3A_133 : memref<16x2048xf32, #tpu.memory_space<hbm>>) target(%arg4 : memref<16x2048xf32, #tpu.memory_space<vmem>>) target_semaphore(%run_scoped3A : memref<!tpu.dma_semaphore, #tpu.memory_space<semaphore_mem>>)
      %dma_wait3A = arith.constant 0 : i32
      %dma_wait3A_134 = tpu.memref_slice %arg2[%add3A_80, %dma_wait3A] : memref<16384x2048xf32, #tpu.memory_space<hbm>> -> memref<16x2048xf32, #tpu.memory_space<hbm>>
      %dma_wait3A_135 = arith.constant 0 : i32
      %dma_wait3A_136 = tpu.memref_slice %arg2[%add3A_80, %dma_wait3A_135] : memref<16384x2048xf32, #tpu.memory_space<hbm>> -> memref<16x2048xf32, #tpu.memory_space<hbm>>
      tpu.wait_dma2 semaphore(%run_scoped3A : memref<!tpu.dma_semaphore, #tpu.memory_space<semaphore_mem>>) src(%dma_wait3A_136 : memref<16x2048xf32, #tpu.memory_space<hbm>>) dst(%arg4 : memref<16x2048xf32, #tpu.memory_space<vmem>>)
      tpu.yield
    }) : () -> ()
    %add3A_81 = arith.constant 304 : i32
    %add3A_82 = arith.addi %mul3A_2, %add3A_81 : i32
    "tpu.region"() ({
      %run_scoped3A = tpu.sem_alloc : memref<!tpu.dma_semaphore, #tpu.memory_space<semaphore_mem>>
      %dma_start3A = arith.constant 0 : i32
      %dma_start3A_131 = tpu.memref_slice %arg3[%add3A_82, %dma_start3A] : memref<16384x2048xf32, #tpu.memory_space<hbm>> -> memref<16x2048xf32, #tpu.memory_space<hbm>>
      %dma_start3A_132 = arith.constant 0 : i32
      %dma_start3A_133 = tpu.memref_slice %arg3[%add3A_82, %dma_start3A_132] : memref<16384x2048xf32, #tpu.memory_space<hbm>> -> memref<16x2048xf32, #tpu.memory_space<hbm>>
      tpu.enqueue_dma source(%arg4 : memref<16x2048xf32, #tpu.memory_space<vmem>>) target(%dma_start3A_133 : memref<16x2048xf32, #tpu.memory_space<hbm>>) target_semaphore(%run_scoped3A : memref<!tpu.dma_semaphore, #tpu.memory_space<semaphore_mem>>)
      %dma_wait3A = arith.constant 0 : i32
      %dma_wait3A_134 = tpu.memref_slice %arg3[%add3A_82, %dma_wait3A] : memref<16384x2048xf32, #tpu.memory_space<hbm>> -> memref<16x2048xf32, #tpu.memory_space<hbm>>
      %dma_wait3A_135 = arith.constant 0 : i32
      %dma_wait3A_136 = tpu.memref_slice %arg3[%add3A_82, %dma_wait3A_135] : memref<16384x2048xf32, #tpu.memory_space<hbm>> -> memref<16x2048xf32, #tpu.memory_space<hbm>>
      tpu.wait_dma2 semaphore(%run_scoped3A : memref<!tpu.dma_semaphore, #tpu.memory_space<semaphore_mem>>) src(%arg4 : memref<16x2048xf32, #tpu.memory_space<vmem>>) dst(%dma_wait3A_136 : memref<16x2048xf32, #tpu.memory_space<hbm>>)
      tpu.yield
    }) : () -> ()
    %add3A_83 = arith.constant 320 : i32
    %add3A_84 = arith.addi %mul3A_2, %add3A_83 : i32
    "tpu.region"() ({
      %run_scoped3A = tpu.sem_alloc : memref<!tpu.dma_semaphore, #tpu.memory_space<semaphore_mem>>
      %dma_start3A = arith.constant 0 : i32
      %dma_start3A_131 = tpu.memref_slice %arg2[%add3A_84, %dma_start3A] : memref<16384x2048xf32, #tpu.memory_space<hbm>> -> memref<16x2048xf32, #tpu.memory_space<hbm>>
      %dma_start3A_132 = arith.constant 0 : i32
      %dma_start3A_133 = tpu.memref_slice %arg2[%add3A_84, %dma_start3A_132] : memref<16384x2048xf32, #tpu.memory_space<hbm>> -> memref<16x2048xf32, #tpu.memory_space<hbm>>
      tpu.enqueue_dma source(%dma_start3A_133 : memref<16x2048xf32, #tpu.memory_space<hbm>>) target(%arg4 : memref<16x2048xf32, #tpu.memory_space<vmem>>) target_semaphore(%run_scoped3A : memref<!tpu.dma_semaphore, #tpu.memory_space<semaphore_mem>>)
      %dma_wait3A = arith.constant 0 : i32
      %dma_wait3A_134 = tpu.memref_slice %arg2[%add3A_84, %dma_wait3A] : memref<16384x2048xf32, #tpu.memory_space<hbm>> -> memref<16x2048xf32, #tpu.memory_space<hbm>>
      %dma_wait3A_135 = arith.constant 0 : i32
      %dma_wait3A_136 = tpu.memref_slice %arg2[%add3A_84, %dma_wait3A_135] : memref<16384x2048xf32, #tpu.memory_space<hbm>> -> memref<16x2048xf32, #tpu.memory_space<hbm>>
      tpu.wait_dma2 semaphore(%run_scoped3A : memref<!tpu.dma_semaphore, #tpu.memory_space<semaphore_mem>>) src(%dma_wait3A_136 : memref<16x2048xf32, #tpu.memory_space<hbm>>) dst(%arg4 : memref<16x2048xf32, #tpu.memory_space<vmem>>)
      tpu.yield
    }) : () -> ()
    %add3A_85 = arith.constant 320 : i32
    %add3A_86 = arith.addi %mul3A_2, %add3A_85 : i32
    "tpu.region"() ({
      %run_scoped3A = tpu.sem_alloc : memref<!tpu.dma_semaphore, #tpu.memory_space<semaphore_mem>>
      %dma_start3A = arith.constant 0 : i32
      %dma_start3A_131 = tpu.memref_slice %arg3[%add3A_86, %dma_start3A] : memref<16384x2048xf32, #tpu.memory_space<hbm>> -> memref<16x2048xf32, #tpu.memory_space<hbm>>
      %dma_start3A_132 = arith.constant 0 : i32
      %dma_start3A_133 = tpu.memref_slice %arg3[%add3A_86, %dma_start3A_132] : memref<16384x2048xf32, #tpu.memory_space<hbm>> -> memref<16x2048xf32, #tpu.memory_space<hbm>>
      tpu.enqueue_dma source(%arg4 : memref<16x2048xf32, #tpu.memory_space<vmem>>) target(%dma_start3A_133 : memref<16x2048xf32, #tpu.memory_space<hbm>>) target_semaphore(%run_scoped3A : memref<!tpu.dma_semaphore, #tpu.memory_space<semaphore_mem>>)
      %dma_wait3A = arith.constant 0 : i32
      %dma_wait3A_134 = tpu.memref_slice %arg3[%add3A_86, %dma_wait3A] : memref<16384x2048xf32, #tpu.memory_space<hbm>> -> memref<16x2048xf32, #tpu.memory_space<hbm>>
      %dma_wait3A_135 = arith.constant 0 : i32
      %dma_wait3A_136 = tpu.memref_slice %arg3[%add3A_86, %dma_wait3A_135] : memref<16384x2048xf32, #tpu.memory_space<hbm>> -> memref<16x2048xf32, #tpu.memory_space<hbm>>
      tpu.wait_dma2 semaphore(%run_scoped3A : memref<!tpu.dma_semaphore, #tpu.memory_space<semaphore_mem>>) src(%arg4 : memref<16x2048xf32, #tpu.memory_space<vmem>>) dst(%dma_wait3A_136 : memref<16x2048xf32, #tpu.memory_space<hbm>>)
      tpu.yield
    }) : () -> ()
    %add3A_87 = arith.constant 336 : i32
    %add3A_88 = arith.addi %mul3A_2, %add3A_87 : i32
    "tpu.region"() ({
      %run_scoped3A = tpu.sem_alloc : memref<!tpu.dma_semaphore, #tpu.memory_space<semaphore_mem>>
      %dma_start3A = arith.constant 0 : i32
      %dma_start3A_131 = tpu.memref_slice %arg2[%add3A_88, %dma_start3A] : memref<16384x2048xf32, #tpu.memory_space<hbm>> -> memref<16x2048xf32, #tpu.memory_space<hbm>>
      %dma_start3A_132 = arith.constant 0 : i32
      %dma_start3A_133 = tpu.memref_slice %arg2[%add3A_88, %dma_start3A_132] : memref<16384x2048xf32, #tpu.memory_space<hbm>> -> memref<16x2048xf32, #tpu.memory_space<hbm>>
      tpu.enqueue_dma source(%dma_start3A_133 : memref<16x2048xf32, #tpu.memory_space<hbm>>) target(%arg4 : memref<16x2048xf32, #tpu.memory_space<vmem>>) target_semaphore(%run_scoped3A : memref<!tpu.dma_semaphore, #tpu.memory_space<semaphore_mem>>)
      %dma_wait3A = arith.constant 0 : i32
      %dma_wait3A_134 = tpu.memref_slice %arg2[%add3A_88, %dma_wait3A] : memref<16384x2048xf32, #tpu.memory_space<hbm>> -> memref<16x2048xf32, #tpu.memory_space<hbm>>
      %dma_wait3A_135 = arith.constant 0 : i32
      %dma_wait3A_136 = tpu.memref_slice %arg2[%add3A_88, %dma_wait3A_135] : memref<16384x2048xf32, #tpu.memory_space<hbm>> -> memref<16x2048xf32, #tpu.memory_space<hbm>>
      tpu.wait_dma2 semaphore(%run_scoped3A : memref<!tpu.dma_semaphore, #tpu.memory_space<semaphore_mem>>) src(%dma_wait3A_136 : memref<16x2048xf32, #tpu.memory_space<hbm>>) dst(%arg4 : memref<16x2048xf32, #tpu.memory_space<vmem>>)
      tpu.yield
    }) : () -> ()
    %add3A_89 = arith.constant 336 : i32
    %add3A_90 = arith.addi %mul3A_2, %add3A_89 : i32
    "tpu.region"() ({
      %run_scoped3A = tpu.sem_alloc : memref<!tpu.dma_semaphore, #tpu.memory_space<semaphore_mem>>
      %dma_start3A = arith.constant 0 : i32
      %dma_start3A_131 = tpu.memref_slice %arg3[%add3A_90, %dma_start3A] : memref<16384x2048xf32, #tpu.memory_space<hbm>> -> memref<16x2048xf32, #tpu.memory_space<hbm>>
      %dma_start3A_132 = arith.constant 0 : i32
      %dma_start3A_133 = tpu.memref_slice %arg3[%add3A_90, %dma_start3A_132] : memref<16384x2048xf32, #tpu.memory_space<hbm>> -> memref<16x2048xf32, #tpu.memory_space<hbm>>
      tpu.enqueue_dma source(%arg4 : memref<16x2048xf32, #tpu.memory_space<vmem>>) target(%dma_start3A_133 : memref<16x2048xf32, #tpu.memory_space<hbm>>) target_semaphore(%run_scoped3A : memref<!tpu.dma_semaphore, #tpu.memory_space<semaphore_mem>>)
      %dma_wait3A = arith.constant 0 : i32
      %dma_wait3A_134 = tpu.memref_slice %arg3[%add3A_90, %dma_wait3A] : memref<16384x2048xf32, #tpu.memory_space<hbm>> -> memref<16x2048xf32, #tpu.memory_space<hbm>>
      %dma_wait3A_135 = arith.constant 0 : i32
      %dma_wait3A_136 = tpu.memref_slice %arg3[%add3A_90, %dma_wait3A_135] : memref<16384x2048xf32, #tpu.memory_space<hbm>> -> memref<16x2048xf32, #tpu.memory_space<hbm>>
      tpu.wait_dma2 semaphore(%run_scoped3A : memref<!tpu.dma_semaphore, #tpu.memory_space<semaphore_mem>>) src(%arg4 : memref<16x2048xf32, #tpu.memory_space<vmem>>) dst(%dma_wait3A_136 : memref<16x2048xf32, #tpu.memory_space<hbm>>)
      tpu.yield
    }) : () -> ()
    %add3A_91 = arith.constant 352 : i32
    %add3A_92 = arith.addi %mul3A_2, %add3A_91 : i32
    "tpu.region"() ({
      %run_scoped3A = tpu.sem_alloc : memref<!tpu.dma_semaphore, #tpu.memory_space<semaphore_mem>>
      %dma_start3A = arith.constant 0 : i32
      %dma_start3A_131 = tpu.memref_slice %arg2[%add3A_92, %dma_start3A] : memref<16384x2048xf32, #tpu.memory_space<hbm>> -> memref<16x2048xf32, #tpu.memory_space<hbm>>
      %dma_start3A_132 = arith.constant 0 : i32
      %dma_start3A_133 = tpu.memref_slice %arg2[%add3A_92, %dma_start3A_132] : memref<16384x2048xf32, #tpu.memory_space<hbm>> -> memref<16x2048xf32, #tpu.memory_space<hbm>>
      tpu.enqueue_dma source(%dma_start3A_133 : memref<16x2048xf32, #tpu.memory_space<hbm>>) target(%arg4 : memref<16x2048xf32, #tpu.memory_space<vmem>>) target_semaphore(%run_scoped3A : memref<!tpu.dma_semaphore, #tpu.memory_space<semaphore_mem>>)
      %dma_wait3A = arith.constant 0 : i32
      %dma_wait3A_134 = tpu.memref_slice %arg2[%add3A_92, %dma_wait3A] : memref<16384x2048xf32, #tpu.memory_space<hbm>> -> memref<16x2048xf32, #tpu.memory_space<hbm>>
      %dma_wait3A_135 = arith.constant 0 : i32
      %dma_wait3A_136 = tpu.memref_slice %arg2[%add3A_92, %dma_wait3A_135] : memref<16384x2048xf32, #tpu.memory_space<hbm>> -> memref<16x2048xf32, #tpu.memory_space<hbm>>
      tpu.wait_dma2 semaphore(%run_scoped3A : memref<!tpu.dma_semaphore, #tpu.memory_space<semaphore_mem>>) src(%dma_wait3A_136 : memref<16x2048xf32, #tpu.memory_space<hbm>>) dst(%arg4 : memref<16x2048xf32, #tpu.memory_space<vmem>>)
      tpu.yield
    }) : () -> ()
    %add3A_93 = arith.constant 352 : i32
    %add3A_94 = arith.addi %mul3A_2, %add3A_93 : i32
    "tpu.region"() ({
      %run_scoped3A = tpu.sem_alloc : memref<!tpu.dma_semaphore, #tpu.memory_space<semaphore_mem>>
      %dma_start3A = arith.constant 0 : i32
      %dma_start3A_131 = tpu.memref_slice %arg3[%add3A_94, %dma_start3A] : memref<16384x2048xf32, #tpu.memory_space<hbm>> -> memref<16x2048xf32, #tpu.memory_space<hbm>>
      %dma_start3A_132 = arith.constant 0 : i32
      %dma_start3A_133 = tpu.memref_slice %arg3[%add3A_94, %dma_start3A_132] : memref<16384x2048xf32, #tpu.memory_space<hbm>> -> memref<16x2048xf32, #tpu.memory_space<hbm>>
      tpu.enqueue_dma source(%arg4 : memref<16x2048xf32, #tpu.memory_space<vmem>>) target(%dma_start3A_133 : memref<16x2048xf32, #tpu.memory_space<hbm>>) target_semaphore(%run_scoped3A : memref<!tpu.dma_semaphore, #tpu.memory_space<semaphore_mem>>)
      %dma_wait3A = arith.constant 0 : i32
      %dma_wait3A_134 = tpu.memref_slice %arg3[%add3A_94, %dma_wait3A] : memref<16384x2048xf32, #tpu.memory_space<hbm>> -> memref<16x2048xf32, #tpu.memory_space<hbm>>
      %dma_wait3A_135 = arith.constant 0 : i32
      %dma_wait3A_136 = tpu.memref_slice %arg3[%add3A_94, %dma_wait3A_135] : memref<16384x2048xf32, #tpu.memory_space<hbm>> -> memref<16x2048xf32, #tpu.memory_space<hbm>>
      tpu.wait_dma2 semaphore(%run_scoped3A : memref<!tpu.dma_semaphore, #tpu.memory_space<semaphore_mem>>) src(%arg4 : memref<16x2048xf32, #tpu.memory_space<vmem>>) dst(%dma_wait3A_136 : memref<16x2048xf32, #tpu.memory_space<hbm>>)
      tpu.yield
    }) : () -> ()
    %add3A_95 = arith.constant 368 : i32
    %add3A_96 = arith.addi %mul3A_2, %add3A_95 : i32
    "tpu.region"() ({
      %run_scoped3A = tpu.sem_alloc : memref<!tpu.dma_semaphore, #tpu.memory_space<semaphore_mem>>
      %dma_start3A = arith.constant 0 : i32
      %dma_start3A_131 = tpu.memref_slice %arg2[%add3A_96, %dma_start3A] : memref<16384x2048xf32, #tpu.memory_space<hbm>> -> memref<16x2048xf32, #tpu.memory_space<hbm>>
      %dma_start3A_132 = arith.constant 0 : i32
      %dma_start3A_133 = tpu.memref_slice %arg2[%add3A_96, %dma_start3A_132] : memref<16384x2048xf32, #tpu.memory_space<hbm>> -> memref<16x2048xf32, #tpu.memory_space<hbm>>
      tpu.enqueue_dma source(%dma_start3A_133 : memref<16x2048xf32, #tpu.memory_space<hbm>>) target(%arg4 : memref<16x2048xf32, #tpu.memory_space<vmem>>) target_semaphore(%run_scoped3A : memref<!tpu.dma_semaphore, #tpu.memory_space<semaphore_mem>>)
      %dma_wait3A = arith.constant 0 : i32
      %dma_wait3A_134 = tpu.memref_slice %arg2[%add3A_96, %dma_wait3A] : memref<16384x2048xf32, #tpu.memory_space<hbm>> -> memref<16x2048xf32, #tpu.memory_space<hbm>>
      %dma_wait3A_135 = arith.constant 0 : i32
      %dma_wait3A_136 = tpu.memref_slice %arg2[%add3A_96, %dma_wait3A_135] : memref<16384x2048xf32, #tpu.memory_space<hbm>> -> memref<16x2048xf32, #tpu.memory_space<hbm>>
      tpu.wait_dma2 semaphore(%run_scoped3A : memref<!tpu.dma_semaphore, #tpu.memory_space<semaphore_mem>>) src(%dma_wait3A_136 : memref<16x2048xf32, #tpu.memory_space<hbm>>) dst(%arg4 : memref<16x2048xf32, #tpu.memory_space<vmem>>)
      tpu.yield
    }) : () -> ()
    %add3A_97 = arith.constant 368 : i32
    %add3A_98 = arith.addi %mul3A_2, %add3A_97 : i32
    "tpu.region"() ({
      %run_scoped3A = tpu.sem_alloc : memref<!tpu.dma_semaphore, #tpu.memory_space<semaphore_mem>>
      %dma_start3A = arith.constant 0 : i32
      %dma_start3A_131 = tpu.memref_slice %arg3[%add3A_98, %dma_start3A] : memref<16384x2048xf32, #tpu.memory_space<hbm>> -> memref<16x2048xf32, #tpu.memory_space<hbm>>
      %dma_start3A_132 = arith.constant 0 : i32
      %dma_start3A_133 = tpu.memref_slice %arg3[%add3A_98, %dma_start3A_132] : memref<16384x2048xf32, #tpu.memory_space<hbm>> -> memref<16x2048xf32, #tpu.memory_space<hbm>>
      tpu.enqueue_dma source(%arg4 : memref<16x2048xf32, #tpu.memory_space<vmem>>) target(%dma_start3A_133 : memref<16x2048xf32, #tpu.memory_space<hbm>>) target_semaphore(%run_scoped3A : memref<!tpu.dma_semaphore, #tpu.memory_space<semaphore_mem>>)
      %dma_wait3A = arith.constant 0 : i32
      %dma_wait3A_134 = tpu.memref_slice %arg3[%add3A_98, %dma_wait3A] : memref<16384x2048xf32, #tpu.memory_space<hbm>> -> memref<16x2048xf32, #tpu.memory_space<hbm>>
      %dma_wait3A_135 = arith.constant 0 : i32
      %dma_wait3A_136 = tpu.memref_slice %arg3[%add3A_98, %dma_wait3A_135] : memref<16384x2048xf32, #tpu.memory_space<hbm>> -> memref<16x2048xf32, #tpu.memory_space<hbm>>
      tpu.wait_dma2 semaphore(%run_scoped3A : memref<!tpu.dma_semaphore, #tpu.memory_space<semaphore_mem>>) src(%arg4 : memref<16x2048xf32, #tpu.memory_space<vmem>>) dst(%dma_wait3A_136 : memref<16x2048xf32, #tpu.memory_space<hbm>>)
      tpu.yield
    }) : () -> ()
    %add3A_99 = arith.constant 384 : i32
    %add3A_100 = arith.addi %mul3A_2, %add3A_99 : i32
    "tpu.region"() ({
      %run_scoped3A = tpu.sem_alloc : memref<!tpu.dma_semaphore, #tpu.memory_space<semaphore_mem>>
      %dma_start3A = arith.constant 0 : i32
      %dma_start3A_131 = tpu.memref_slice %arg2[%add3A_100, %dma_start3A] : memref<16384x2048xf32, #tpu.memory_space<hbm>> -> memref<16x2048xf32, #tpu.memory_space<hbm>>
      %dma_start3A_132 = arith.constant 0 : i32
      %dma_start3A_133 = tpu.memref_slice %arg2[%add3A_100, %dma_start3A_132] : memref<16384x2048xf32, #tpu.memory_space<hbm>> -> memref<16x2048xf32, #tpu.memory_space<hbm>>
      tpu.enqueue_dma source(%dma_start3A_133 : memref<16x2048xf32, #tpu.memory_space<hbm>>) target(%arg4 : memref<16x2048xf32, #tpu.memory_space<vmem>>) target_semaphore(%run_scoped3A : memref<!tpu.dma_semaphore, #tpu.memory_space<semaphore_mem>>)
      %dma_wait3A = arith.constant 0 : i32
      %dma_wait3A_134 = tpu.memref_slice %arg2[%add3A_100, %dma_wait3A] : memref<16384x2048xf32, #tpu.memory_space<hbm>> -> memref<16x2048xf32, #tpu.memory_space<hbm>>
      %dma_wait3A_135 = arith.constant 0 : i32
      %dma_wait3A_136 = tpu.memref_slice %arg2[%add3A_100, %dma_wait3A_135] : memref<16384x2048xf32, #tpu.memory_space<hbm>> -> memref<16x2048xf32, #tpu.memory_space<hbm>>
      tpu.wait_dma2 semaphore(%run_scoped3A : memref<!tpu.dma_semaphore, #tpu.memory_space<semaphore_mem>>) src(%dma_wait3A_136 : memref<16x2048xf32, #tpu.memory_space<hbm>>) dst(%arg4 : memref<16x2048xf32, #tpu.memory_space<vmem>>)
      tpu.yield
    }) : () -> ()
    %add3A_101 = arith.constant 384 : i32
    %add3A_102 = arith.addi %mul3A_2, %add3A_101 : i32
    "tpu.region"() ({
      %run_scoped3A = tpu.sem_alloc : memref<!tpu.dma_semaphore, #tpu.memory_space<semaphore_mem>>
      %dma_start3A = arith.constant 0 : i32
      %dma_start3A_131 = tpu.memref_slice %arg3[%add3A_102, %dma_start3A] : memref<16384x2048xf32, #tpu.memory_space<hbm>> -> memref<16x2048xf32, #tpu.memory_space<hbm>>
      %dma_start3A_132 = arith.constant 0 : i32
      %dma_start3A_133 = tpu.memref_slice %arg3[%add3A_102, %dma_start3A_132] : memref<16384x2048xf32, #tpu.memory_space<hbm>> -> memref<16x2048xf32, #tpu.memory_space<hbm>>
      tpu.enqueue_dma source(%arg4 : memref<16x2048xf32, #tpu.memory_space<vmem>>) target(%dma_start3A_133 : memref<16x2048xf32, #tpu.memory_space<hbm>>) target_semaphore(%run_scoped3A : memref<!tpu.dma_semaphore, #tpu.memory_space<semaphore_mem>>)
      %dma_wait3A = arith.constant 0 : i32
      %dma_wait3A_134 = tpu.memref_slice %arg3[%add3A_102, %dma_wait3A] : memref<16384x2048xf32, #tpu.memory_space<hbm>> -> memref<16x2048xf32, #tpu.memory_space<hbm>>
      %dma_wait3A_135 = arith.constant 0 : i32
      %dma_wait3A_136 = tpu.memref_slice %arg3[%add3A_102, %dma_wait3A_135] : memref<16384x2048xf32, #tpu.memory_space<hbm>> -> memref<16x2048xf32, #tpu.memory_space<hbm>>
      tpu.wait_dma2 semaphore(%run_scoped3A : memref<!tpu.dma_semaphore, #tpu.memory_space<semaphore_mem>>) src(%arg4 : memref<16x2048xf32, #tpu.memory_space<vmem>>) dst(%dma_wait3A_136 : memref<16x2048xf32, #tpu.memory_space<hbm>>)
      tpu.yield
    }) : () -> ()
    %add3A_103 = arith.constant 400 : i32
    %add3A_104 = arith.addi %mul3A_2, %add3A_103 : i32
    "tpu.region"() ({
      %run_scoped3A = tpu.sem_alloc : memref<!tpu.dma_semaphore, #tpu.memory_space<semaphore_mem>>
      %dma_start3A = arith.constant 0 : i32
      %dma_start3A_131 = tpu.memref_slice %arg2[%add3A_104, %dma_start3A] : memref<16384x2048xf32, #tpu.memory_space<hbm>> -> memref<16x2048xf32, #tpu.memory_space<hbm>>
      %dma_start3A_132 = arith.constant 0 : i32
      %dma_start3A_133 = tpu.memref_slice %arg2[%add3A_104, %dma_start3A_132] : memref<16384x2048xf32, #tpu.memory_space<hbm>> -> memref<16x2048xf32, #tpu.memory_space<hbm>>
      tpu.enqueue_dma source(%dma_start3A_133 : memref<16x2048xf32, #tpu.memory_space<hbm>>) target(%arg4 : memref<16x2048xf32, #tpu.memory_space<vmem>>) target_semaphore(%run_scoped3A : memref<!tpu.dma_semaphore, #tpu.memory_space<semaphore_mem>>)
      %dma_wait3A = arith.constant 0 : i32
      %dma_wait3A_134 = tpu.memref_slice %arg2[%add3A_104, %dma_wait3A] : memref<16384x2048xf32, #tpu.memory_space<hbm>> -> memref<16x2048xf32, #tpu.memory_space<hbm>>
      %dma_wait3A_135 = arith.constant 0 : i32
      %dma_wait3A_136 = tpu.memref_slice %arg2[%add3A_104, %dma_wait3A_135] : memref<16384x2048xf32, #tpu.memory_space<hbm>> -> memref<16x2048xf32, #tpu.memory_space<hbm>>
      tpu.wait_dma2 semaphore(%run_scoped3A : memref<!tpu.dma_semaphore, #tpu.memory_space<semaphore_mem>>) src(%dma_wait3A_136 : memref<16x2048xf32, #tpu.memory_space<hbm>>) dst(%arg4 : memref<16x2048xf32, #tpu.memory_space<vmem>>)
      tpu.yield
    }) : () -> ()
    %add3A_105 = arith.constant 400 : i32
    %add3A_106 = arith.addi %mul3A_2, %add3A_105 : i32
    "tpu.region"() ({
      %run_scoped3A = tpu.sem_alloc : memref<!tpu.dma_semaphore, #tpu.memory_space<semaphore_mem>>
      %dma_start3A = arith.constant 0 : i32
      %dma_start3A_131 = tpu.memref_slice %arg3[%add3A_106, %dma_start3A] : memref<16384x2048xf32, #tpu.memory_space<hbm>> -> memref<16x2048xf32, #tpu.memory_space<hbm>>
      %dma_start3A_132 = arith.constant 0 : i32
      %dma_start3A_133 = tpu.memref_slice %arg3[%add3A_106, %dma_start3A_132] : memref<16384x2048xf32, #tpu.memory_space<hbm>> -> memref<16x2048xf32, #tpu.memory_space<hbm>>
      tpu.enqueue_dma source(%arg4 : memref<16x2048xf32, #tpu.memory_space<vmem>>) target(%dma_start3A_133 : memref<16x2048xf32, #tpu.memory_space<hbm>>) target_semaphore(%run_scoped3A : memref<!tpu.dma_semaphore, #tpu.memory_space<semaphore_mem>>)
      %dma_wait3A = arith.constant 0 : i32
      %dma_wait3A_134 = tpu.memref_slice %arg3[%add3A_106, %dma_wait3A] : memref<16384x2048xf32, #tpu.memory_space<hbm>> -> memref<16x2048xf32, #tpu.memory_space<hbm>>
      %dma_wait3A_135 = arith.constant 0 : i32
      %dma_wait3A_136 = tpu.memref_slice %arg3[%add3A_106, %dma_wait3A_135] : memref<16384x2048xf32, #tpu.memory_space<hbm>> -> memref<16x2048xf32, #tpu.memory_space<hbm>>
      tpu.wait_dma2 semaphore(%run_scoped3A : memref<!tpu.dma_semaphore, #tpu.memory_space<semaphore_mem>>) src(%arg4 : memref<16x2048xf32, #tpu.memory_space<vmem>>) dst(%dma_wait3A_136 : memref<16x2048xf32, #tpu.memory_space<hbm>>)
      tpu.yield
    }) : () -> ()
    %add3A_107 = arith.constant 416 : i32
    %add3A_108 = arith.addi %mul3A_2, %add3A_107 : i32
    "tpu.region"() ({
      %run_scoped3A = tpu.sem_alloc : memref<!tpu.dma_semaphore, #tpu.memory_space<semaphore_mem>>
      %dma_start3A = arith.constant 0 : i32
      %dma_start3A_131 = tpu.memref_slice %arg2[%add3A_108, %dma_start3A] : memref<16384x2048xf32, #tpu.memory_space<hbm>> -> memref<16x2048xf32, #tpu.memory_space<hbm>>
      %dma_start3A_132 = arith.constant 0 : i32
      %dma_start3A_133 = tpu.memref_slice %arg2[%add3A_108, %dma_start3A_132] : memref<16384x2048xf32, #tpu.memory_space<hbm>> -> memref<16x2048xf32, #tpu.memory_space<hbm>>
      tpu.enqueue_dma source(%dma_start3A_133 : memref<16x2048xf32, #tpu.memory_space<hbm>>) target(%arg4 : memref<16x2048xf32, #tpu.memory_space<vmem>>) target_semaphore(%run_scoped3A : memref<!tpu.dma_semaphore, #tpu.memory_space<semaphore_mem>>)
      %dma_wait3A = arith.constant 0 : i32
      %dma_wait3A_134 = tpu.memref_slice %arg2[%add3A_108, %dma_wait3A] : memref<16384x2048xf32, #tpu.memory_space<hbm>> -> memref<16x2048xf32, #tpu.memory_space<hbm>>
      %dma_wait3A_135 = arith.constant 0 : i32
      %dma_wait3A_136 = tpu.memref_slice %arg2[%add3A_108, %dma_wait3A_135] : memref<16384x2048xf32, #tpu.memory_space<hbm>> -> memref<16x2048xf32, #tpu.memory_space<hbm>>
      tpu.wait_dma2 semaphore(%run_scoped3A : memref<!tpu.dma_semaphore, #tpu.memory_space<semaphore_mem>>) src(%dma_wait3A_136 : memref<16x2048xf32, #tpu.memory_space<hbm>>) dst(%arg4 : memref<16x2048xf32, #tpu.memory_space<vmem>>)
      tpu.yield
    }) : () -> ()
    %add3A_109 = arith.constant 416 : i32
    %add3A_110 = arith.addi %mul3A_2, %add3A_109 : i32
    "tpu.region"() ({
      %run_scoped3A = tpu.sem_alloc : memref<!tpu.dma_semaphore, #tpu.memory_space<semaphore_mem>>
      %dma_start3A = arith.constant 0 : i32
      %dma_start3A_131 = tpu.memref_slice %arg3[%add3A_110, %dma_start3A] : memref<16384x2048xf32, #tpu.memory_space<hbm>> -> memref<16x2048xf32, #tpu.memory_space<hbm>>
      %dma_start3A_132 = arith.constant 0 : i32
      %dma_start3A_133 = tpu.memref_slice %arg3[%add3A_110, %dma_start3A_132] : memref<16384x2048xf32, #tpu.memory_space<hbm>> -> memref<16x2048xf32, #tpu.memory_space<hbm>>
      tpu.enqueue_dma source(%arg4 : memref<16x2048xf32, #tpu.memory_space<vmem>>) target(%dma_start3A_133 : memref<16x2048xf32, #tpu.memory_space<hbm>>) target_semaphore(%run_scoped3A : memref<!tpu.dma_semaphore, #tpu.memory_space<semaphore_mem>>)
      %dma_wait3A = arith.constant 0 : i32
      %dma_wait3A_134 = tpu.memref_slice %arg3[%add3A_110, %dma_wait3A] : memref<16384x2048xf32, #tpu.memory_space<hbm>> -> memref<16x2048xf32, #tpu.memory_space<hbm>>
      %dma_wait3A_135 = arith.constant 0 : i32
      %dma_wait3A_136 = tpu.memref_slice %arg3[%add3A_110, %dma_wait3A_135] : memref<16384x2048xf32, #tpu.memory_space<hbm>> -> memref<16x2048xf32, #tpu.memory_space<hbm>>
      tpu.wait_dma2 semaphore(%run_scoped3A : memref<!tpu.dma_semaphore, #tpu.memory_space<semaphore_mem>>) src(%arg4 : memref<16x2048xf32, #tpu.memory_space<vmem>>) dst(%dma_wait3A_136 : memref<16x2048xf32, #tpu.memory_space<hbm>>)
      tpu.yield
    }) : () -> ()
    %add3A_111 = arith.constant 432 : i32
    %add3A_112 = arith.addi %mul3A_2, %add3A_111 : i32
    "tpu.region"() ({
      %run_scoped3A = tpu.sem_alloc : memref<!tpu.dma_semaphore, #tpu.memory_space<semaphore_mem>>
      %dma_start3A = arith.constant 0 : i32
      %dma_start3A_131 = tpu.memref_slice %arg2[%add3A_112, %dma_start3A] : memref<16384x2048xf32, #tpu.memory_space<hbm>> -> memref<16x2048xf32, #tpu.memory_space<hbm>>
      %dma_start3A_132 = arith.constant 0 : i32
      %dma_start3A_133 = tpu.memref_slice %arg2[%add3A_112, %dma_start3A_132] : memref<16384x2048xf32, #tpu.memory_space<hbm>> -> memref<16x2048xf32, #tpu.memory_space<hbm>>
      tpu.enqueue_dma source(%dma_start3A_133 : memref<16x2048xf32, #tpu.memory_space<hbm>>) target(%arg4 : memref<16x2048xf32, #tpu.memory_space<vmem>>) target_semaphore(%run_scoped3A : memref<!tpu.dma_semaphore, #tpu.memory_space<semaphore_mem>>)
      %dma_wait3A = arith.constant 0 : i32
      %dma_wait3A_134 = tpu.memref_slice %arg2[%add3A_112, %dma_wait3A] : memref<16384x2048xf32, #tpu.memory_space<hbm>> -> memref<16x2048xf32, #tpu.memory_space<hbm>>
      %dma_wait3A_135 = arith.constant 0 : i32
      %dma_wait3A_136 = tpu.memref_slice %arg2[%add3A_112, %dma_wait3A_135] : memref<16384x2048xf32, #tpu.memory_space<hbm>> -> memref<16x2048xf32, #tpu.memory_space<hbm>>
      tpu.wait_dma2 semaphore(%run_scoped3A : memref<!tpu.dma_semaphore, #tpu.memory_space<semaphore_mem>>) src(%dma_wait3A_136 : memref<16x2048xf32, #tpu.memory_space<hbm>>) dst(%arg4 : memref<16x2048xf32, #tpu.memory_space<vmem>>)
      tpu.yield
    }) : () -> ()
    %add3A_113 = arith.constant 432 : i32
    %add3A_114 = arith.addi %mul3A_2, %add3A_113 : i32
    "tpu.region"() ({
      %run_scoped3A = tpu.sem_alloc : memref<!tpu.dma_semaphore, #tpu.memory_space<semaphore_mem>>
      %dma_start3A = arith.constant 0 : i32
      %dma_start3A_131 = tpu.memref_slice %arg3[%add3A_114, %dma_start3A] : memref<16384x2048xf32, #tpu.memory_space<hbm>> -> memref<16x2048xf32, #tpu.memory_space<hbm>>
      %dma_start3A_132 = arith.constant 0 : i32
      %dma_start3A_133 = tpu.memref_slice %arg3[%add3A_114, %dma_start3A_132] : memref<16384x2048xf32, #tpu.memory_space<hbm>> -> memref<16x2048xf32, #tpu.memory_space<hbm>>
      tpu.enqueue_dma source(%arg4 : memref<16x2048xf32, #tpu.memory_space<vmem>>) target(%dma_start3A_133 : memref<16x2048xf32, #tpu.memory_space<hbm>>) target_semaphore(%run_scoped3A : memref<!tpu.dma_semaphore, #tpu.memory_space<semaphore_mem>>)
      %dma_wait3A = arith.constant 0 : i32
      %dma_wait3A_134 = tpu.memref_slice %arg3[%add3A_114, %dma_wait3A] : memref<16384x2048xf32, #tpu.memory_space<hbm>> -> memref<16x2048xf32, #tpu.memory_space<hbm>>
      %dma_wait3A_135 = arith.constant 0 : i32
      %dma_wait3A_136 = tpu.memref_slice %arg3[%add3A_114, %dma_wait3A_135] : memref<16384x2048xf32, #tpu.memory_space<hbm>> -> memref<16x2048xf32, #tpu.memory_space<hbm>>
      tpu.wait_dma2 semaphore(%run_scoped3A : memref<!tpu.dma_semaphore, #tpu.memory_space<semaphore_mem>>) src(%arg4 : memref<16x2048xf32, #tpu.memory_space<vmem>>) dst(%dma_wait3A_136 : memref<16x2048xf32, #tpu.memory_space<hbm>>)
      tpu.yield
    }) : () -> ()
    %add3A_115 = arith.constant 448 : i32
    %add3A_116 = arith.addi %mul3A_2, %add3A_115 : i32
    "tpu.region"() ({
      %run_scoped3A = tpu.sem_alloc : memref<!tpu.dma_semaphore, #tpu.memory_space<semaphore_mem>>
      %dma_start3A = arith.constant 0 : i32
      %dma_start3A_131 = tpu.memref_slice %arg2[%add3A_116, %dma_start3A] : memref<16384x2048xf32, #tpu.memory_space<hbm>> -> memref<16x2048xf32, #tpu.memory_space<hbm>>
      %dma_start3A_132 = arith.constant 0 : i32
      %dma_start3A_133 = tpu.memref_slice %arg2[%add3A_116, %dma_start3A_132] : memref<16384x2048xf32, #tpu.memory_space<hbm>> -> memref<16x2048xf32, #tpu.memory_space<hbm>>
      tpu.enqueue_dma source(%dma_start3A_133 : memref<16x2048xf32, #tpu.memory_space<hbm>>) target(%arg4 : memref<16x2048xf32, #tpu.memory_space<vmem>>) target_semaphore(%run_scoped3A : memref<!tpu.dma_semaphore, #tpu.memory_space<semaphore_mem>>)
      %dma_wait3A = arith.constant 0 : i32
      %dma_wait3A_134 = tpu.memref_slice %arg2[%add3A_116, %dma_wait3A] : memref<16384x2048xf32, #tpu.memory_space<hbm>> -> memref<16x2048xf32, #tpu.memory_space<hbm>>
      %dma_wait3A_135 = arith.constant 0 : i32
      %dma_wait3A_136 = tpu.memref_slice %arg2[%add3A_116, %dma_wait3A_135] : memref<16384x2048xf32, #tpu.memory_space<hbm>> -> memref<16x2048xf32, #tpu.memory_space<hbm>>
      tpu.wait_dma2 semaphore(%run_scoped3A : memref<!tpu.dma_semaphore, #tpu.memory_space<semaphore_mem>>) src(%dma_wait3A_136 : memref<16x2048xf32, #tpu.memory_space<hbm>>) dst(%arg4 : memref<16x2048xf32, #tpu.memory_space<vmem>>)
      tpu.yield
    }) : () -> ()
    %add3A_117 = arith.constant 448 : i32
    %add3A_118 = arith.addi %mul3A_2, %add3A_117 : i32
    "tpu.region"() ({
      %run_scoped3A = tpu.sem_alloc : memref<!tpu.dma_semaphore, #tpu.memory_space<semaphore_mem>>
      %dma_start3A = arith.constant 0 : i32
      %dma_start3A_131 = tpu.memref_slice %arg3[%add3A_118, %dma_start3A] : memref<16384x2048xf32, #tpu.memory_space<hbm>> -> memref<16x2048xf32, #tpu.memory_space<hbm>>
      %dma_start3A_132 = arith.constant 0 : i32
      %dma_start3A_133 = tpu.memref_slice %arg3[%add3A_118, %dma_start3A_132] : memref<16384x2048xf32, #tpu.memory_space<hbm>> -> memref<16x2048xf32, #tpu.memory_space<hbm>>
      tpu.enqueue_dma source(%arg4 : memref<16x2048xf32, #tpu.memory_space<vmem>>) target(%dma_start3A_133 : memref<16x2048xf32, #tpu.memory_space<hbm>>) target_semaphore(%run_scoped3A : memref<!tpu.dma_semaphore, #tpu.memory_space<semaphore_mem>>)
      %dma_wait3A = arith.constant 0 : i32
      %dma_wait3A_134 = tpu.memref_slice %arg3[%add3A_118, %dma_wait3A] : memref<16384x2048xf32, #tpu.memory_space<hbm>> -> memref<16x2048xf32, #tpu.memory_space<hbm>>
      %dma_wait3A_135 = arith.constant 0 : i32
      %dma_wait3A_136 = tpu.memref_slice %arg3[%add3A_118, %dma_wait3A_135] : memref<16384x2048xf32, #tpu.memory_space<hbm>> -> memref<16x2048xf32, #tpu.memory_space<hbm>>
      tpu.wait_dma2 semaphore(%run_scoped3A : memref<!tpu.dma_semaphore, #tpu.memory_space<semaphore_mem>>) src(%arg4 : memref<16x2048xf32, #tpu.memory_space<vmem>>) dst(%dma_wait3A_136 : memref<16x2048xf32, #tpu.memory_space<hbm>>)
      tpu.yield
    }) : () -> ()
    %add3A_119 = arith.constant 464 : i32
    %add3A_120 = arith.addi %mul3A_2, %add3A_119 : i32
    "tpu.region"() ({
      %run_scoped3A = tpu.sem_alloc : memref<!tpu.dma_semaphore, #tpu.memory_space<semaphore_mem>>
      %dma_start3A = arith.constant 0 : i32
      %dma_start3A_131 = tpu.memref_slice %arg2[%add3A_120, %dma_start3A] : memref<16384x2048xf32, #tpu.memory_space<hbm>> -> memref<16x2048xf32, #tpu.memory_space<hbm>>
      %dma_start3A_132 = arith.constant 0 : i32
      %dma_start3A_133 = tpu.memref_slice %arg2[%add3A_120, %dma_start3A_132] : memref<16384x2048xf32, #tpu.memory_space<hbm>> -> memref<16x2048xf32, #tpu.memory_space<hbm>>
      tpu.enqueue_dma source(%dma_start3A_133 : memref<16x2048xf32, #tpu.memory_space<hbm>>) target(%arg4 : memref<16x2048xf32, #tpu.memory_space<vmem>>) target_semaphore(%run_scoped3A : memref<!tpu.dma_semaphore, #tpu.memory_space<semaphore_mem>>)
      %dma_wait3A = arith.constant 0 : i32
      %dma_wait3A_134 = tpu.memref_slice %arg2[%add3A_120, %dma_wait3A] : memref<16384x2048xf32, #tpu.memory_space<hbm>> -> memref<16x2048xf32, #tpu.memory_space<hbm>>
      %dma_wait3A_135 = arith.constant 0 : i32
      %dma_wait3A_136 = tpu.memref_slice %arg2[%add3A_120, %dma_wait3A_135] : memref<16384x2048xf32, #tpu.memory_space<hbm>> -> memref<16x2048xf32, #tpu.memory_space<hbm>>
      tpu.wait_dma2 semaphore(%run_scoped3A : memref<!tpu.dma_semaphore, #tpu.memory_space<semaphore_mem>>) src(%dma_wait3A_136 : memref<16x2048xf32, #tpu.memory_space<hbm>>) dst(%arg4 : memref<16x2048xf32, #tpu.memory_space<vmem>>)
      tpu.yield
    }) : () -> ()
    %add3A_121 = arith.constant 464 : i32
    %add3A_122 = arith.addi %mul3A_2, %add3A_121 : i32
    "tpu.region"() ({
      %run_scoped3A = tpu.sem_alloc : memref<!tpu.dma_semaphore, #tpu.memory_space<semaphore_mem>>
      %dma_start3A = arith.constant 0 : i32
      %dma_start3A_131 = tpu.memref_slice %arg3[%add3A_122, %dma_start3A] : memref<16384x2048xf32, #tpu.memory_space<hbm>> -> memref<16x2048xf32, #tpu.memory_space<hbm>>
      %dma_start3A_132 = arith.constant 0 : i32
      %dma_start3A_133 = tpu.memref_slice %arg3[%add3A_122, %dma_start3A_132] : memref<16384x2048xf32, #tpu.memory_space<hbm>> -> memref<16x2048xf32, #tpu.memory_space<hbm>>
      tpu.enqueue_dma source(%arg4 : memref<16x2048xf32, #tpu.memory_space<vmem>>) target(%dma_start3A_133 : memref<16x2048xf32, #tpu.memory_space<hbm>>) target_semaphore(%run_scoped3A : memref<!tpu.dma_semaphore, #tpu.memory_space<semaphore_mem>>)
      %dma_wait3A = arith.constant 0 : i32
      %dma_wait3A_134 = tpu.memref_slice %arg3[%add3A_122, %dma_wait3A] : memref<16384x2048xf32, #tpu.memory_space<hbm>> -> memref<16x2048xf32, #tpu.memory_space<hbm>>
      %dma_wait3A_135 = arith.constant 0 : i32
      %dma_wait3A_136 = tpu.memref_slice %arg3[%add3A_122, %dma_wait3A_135] : memref<16384x2048xf32, #tpu.memory_space<hbm>> -> memref<16x2048xf32, #tpu.memory_space<hbm>>
      tpu.wait_dma2 semaphore(%run_scoped3A : memref<!tpu.dma_semaphore, #tpu.memory_space<semaphore_mem>>) src(%arg4 : memref<16x2048xf32, #tpu.memory_space<vmem>>) dst(%dma_wait3A_136 : memref<16x2048xf32, #tpu.memory_space<hbm>>)
      tpu.yield
    }) : () -> ()
    %add3A_123 = arith.constant 480 : i32
    %add3A_124 = arith.addi %mul3A_2, %add3A_123 : i32
    "tpu.region"() ({
      %run_scoped3A = tpu.sem_alloc : memref<!tpu.dma_semaphore, #tpu.memory_space<semaphore_mem>>
      %dma_start3A = arith.constant 0 : i32
      %dma_start3A_131 = tpu.memref_slice %arg2[%add3A_124, %dma_start3A] : memref<16384x2048xf32, #tpu.memory_space<hbm>> -> memref<16x2048xf32, #tpu.memory_space<hbm>>
      %dma_start3A_132 = arith.constant 0 : i32
      %dma_start3A_133 = tpu.memref_slice %arg2[%add3A_124, %dma_start3A_132] : memref<16384x2048xf32, #tpu.memory_space<hbm>> -> memref<16x2048xf32, #tpu.memory_space<hbm>>
      tpu.enqueue_dma source(%dma_start3A_133 : memref<16x2048xf32, #tpu.memory_space<hbm>>) target(%arg4 : memref<16x2048xf32, #tpu.memory_space<vmem>>) target_semaphore(%run_scoped3A : memref<!tpu.dma_semaphore, #tpu.memory_space<semaphore_mem>>)
      %dma_wait3A = arith.constant 0 : i32
      %dma_wait3A_134 = tpu.memref_slice %arg2[%add3A_124, %dma_wait3A] : memref<16384x2048xf32, #tpu.memory_space<hbm>> -> memref<16x2048xf32, #tpu.memory_space<hbm>>
      %dma_wait3A_135 = arith.constant 0 : i32
      %dma_wait3A_136 = tpu.memref_slice %arg2[%add3A_124, %dma_wait3A_135] : memref<16384x2048xf32, #tpu.memory_space<hbm>> -> memref<16x2048xf32, #tpu.memory_space<hbm>>
      tpu.wait_dma2 semaphore(%run_scoped3A : memref<!tpu.dma_semaphore, #tpu.memory_space<semaphore_mem>>) src(%dma_wait3A_136 : memref<16x2048xf32, #tpu.memory_space<hbm>>) dst(%arg4 : memref<16x2048xf32, #tpu.memory_space<vmem>>)
      tpu.yield
    }) : () -> ()
    %add3A_125 = arith.constant 480 : i32
    %add3A_126 = arith.addi %mul3A_2, %add3A_125 : i32
    "tpu.region"() ({
      %run_scoped3A = tpu.sem_alloc : memref<!tpu.dma_semaphore, #tpu.memory_space<semaphore_mem>>
      %dma_start3A = arith.constant 0 : i32
      %dma_start3A_131 = tpu.memref_slice %arg3[%add3A_126, %dma_start3A] : memref<16384x2048xf32, #tpu.memory_space<hbm>> -> memref<16x2048xf32, #tpu.memory_space<hbm>>
      %dma_start3A_132 = arith.constant 0 : i32
      %dma_start3A_133 = tpu.memref_slice %arg3[%add3A_126, %dma_start3A_132] : memref<16384x2048xf32, #tpu.memory_space<hbm>> -> memref<16x2048xf32, #tpu.memory_space<hbm>>
      tpu.enqueue_dma source(%arg4 : memref<16x2048xf32, #tpu.memory_space<vmem>>) target(%dma_start3A_133 : memref<16x2048xf32, #tpu.memory_space<hbm>>) target_semaphore(%run_scoped3A : memref<!tpu.dma_semaphore, #tpu.memory_space<semaphore_mem>>)
      %dma_wait3A = arith.constant 0 : i32
      %dma_wait3A_134 = tpu.memref_slice %arg3[%add3A_126, %dma_wait3A] : memref<16384x2048xf32, #tpu.memory_space<hbm>> -> memref<16x2048xf32, #tpu.memory_space<hbm>>
      %dma_wait3A_135 = arith.constant 0 : i32
      %dma_wait3A_136 = tpu.memref_slice %arg3[%add3A_126, %dma_wait3A_135] : memref<16384x2048xf32, #tpu.memory_space<hbm>> -> memref<16x2048xf32, #tpu.memory_space<hbm>>
      tpu.wait_dma2 semaphore(%run_scoped3A : memref<!tpu.dma_semaphore, #tpu.memory_space<semaphore_mem>>) src(%arg4 : memref<16x2048xf32, #tpu.memory_space<vmem>>) dst(%dma_wait3A_136 : memref<16x2048xf32, #tpu.memory_space<hbm>>)
      tpu.yield
    }) : () -> ()
    %add3A_127 = arith.constant 496 : i32
    %add3A_128 = arith.addi %mul3A_2, %add3A_127 : i32
    "tpu.region"() ({
      %run_scoped3A = tpu.sem_alloc : memref<!tpu.dma_semaphore, #tpu.memory_space<semaphore_mem>>
      %dma_start3A = arith.constant 0 : i32
      %dma_start3A_131 = tpu.memref_slice %arg2[%add3A_128, %dma_start3A] : memref<16384x2048xf32, #tpu.memory_space<hbm>> -> memref<16x2048xf32, #tpu.memory_space<hbm>>
      %dma_start3A_132 = arith.constant 0 : i32
      %dma_start3A_133 = tpu.memref_slice %arg2[%add3A_128, %dma_start3A_132] : memref<16384x2048xf32, #tpu.memory_space<hbm>> -> memref<16x2048xf32, #tpu.memory_space<hbm>>
      tpu.enqueue_dma source(%dma_start3A_133 : memref<16x2048xf32, #tpu.memory_space<hbm>>) target(%arg4 : memref<16x2048xf32, #tpu.memory_space<vmem>>) target_semaphore(%run_scoped3A : memref<!tpu.dma_semaphore, #tpu.memory_space<semaphore_mem>>)
      %dma_wait3A = arith.constant 0 : i32
      %dma_wait3A_134 = tpu.memref_slice %arg2[%add3A_128, %dma_wait3A] : memref<16384x2048xf32, #tpu.memory_space<hbm>> -> memref<16x2048xf32, #tpu.memory_space<hbm>>
      %dma_wait3A_135 = arith.constant 0 : i32
      %dma_wait3A_136 = tpu.memref_slice %arg2[%add3A_128, %dma_wait3A_135] : memref<16384x2048xf32, #tpu.memory_space<hbm>> -> memref<16x2048xf32, #tpu.memory_space<hbm>>
      tpu.wait_dma2 semaphore(%run_scoped3A : memref<!tpu.dma_semaphore, #tpu.memory_space<semaphore_mem>>) src(%dma_wait3A_136 : memref<16x2048xf32, #tpu.memory_space<hbm>>) dst(%arg4 : memref<16x2048xf32, #tpu.memory_space<vmem>>)
      tpu.yield
    }) : () -> ()
    %add3A_129 = arith.constant 496 : i32
    %add3A_130 = arith.addi %mul3A_2, %add3A_129 : i32
    "tpu.region"() ({
      %run_scoped3A = tpu.sem_alloc : memref<!tpu.dma_semaphore, #tpu.memory_space<semaphore_mem>>
      %dma_start3A = arith.constant 0 : i32
      %dma_start3A_131 = tpu.memref_slice %arg3[%add3A_130, %dma_start3A] : memref<16384x2048xf32, #tpu.memory_space<hbm>> -> memref<16x2048xf32, #tpu.memory_space<hbm>>
      %dma_start3A_132 = arith.constant 0 : i32
      %dma_start3A_133 = tpu.memref_slice %arg3[%add3A_130, %dma_start3A_132] : memref<16384x2048xf32, #tpu.memory_space<hbm>> -> memref<16x2048xf32, #tpu.memory_space<hbm>>
      tpu.enqueue_dma source(%arg4 : memref<16x2048xf32, #tpu.memory_space<vmem>>) target(%dma_start3A_133 : memref<16x2048xf32, #tpu.memory_space<hbm>>) target_semaphore(%run_scoped3A : memref<!tpu.dma_semaphore, #tpu.memory_space<semaphore_mem>>)
      %dma_wait3A = arith.constant 0 : i32
      %dma_wait3A_134 = tpu.memref_slice %arg3[%add3A_130, %dma_wait3A] : memref<16384x2048xf32, #tpu.memory_space<hbm>> -> memref<16x2048xf32, #tpu.memory_space<hbm>>
      %dma_wait3A_135 = arith.constant 0 : i32
      %dma_wait3A_136 = tpu.memref_slice %arg3[%add3A_130, %dma_wait3A_135] : memref<16384x2048xf32, #tpu.memory_space<hbm>> -> memref<16x2048xf32, #tpu.memory_space<hbm>>
      tpu.wait_dma2 semaphore(%run_scoped3A : memref<!tpu.dma_semaphore, #tpu.memory_space<semaphore_mem>>) src(%arg4 : memref<16x2048xf32, #tpu.memory_space<vmem>>) dst(%dma_wait3A_136 : memref<16x2048xf32, #tpu.memory_space<hbm>>)
      tpu.yield
    }) : () -> ()
    return
  }
}

</mosaic_0001>

<sc_bundles>
// kernel: kernel.3.cloned.1.call-start
scs
__scs_entry_jumppad:
0x0: {  	(pc) =	sbr.rel $0x88, $3  }
0x1: {  	(tag) =	ssettag $0x0;
	lr =	simm.s32 $0x1  }
0x2: {  	[smem:$0x3FA0] =	sst lr;
	_ =	strace $0xD0000000  }
0x3: {  	_ = 	snop  }
0x4: {  	_ = 	snop  }
0x5: {  	_ = 	snop  }
0x6: {  	_ = 	snop  }
0x7: {  	_ = 	snop  }
__scs_overlays_trampoline_lowered:
0x8: {  	[smem:$0x3FAF] =	sst s0  }
0x9: {  	[smem:$0x3FB0] =	sst s1  }
0xa: {  	[smem:$0x3FB1] =	sst s2  }
0xb: {  	[smem:$0x3FB2] =	sst s3  }
0xc: {  	[smem:$0x3FB3] =	sst s4  }
0xd: {  	[smem:$0x3FB4] =	sst s5  }
0xe: {  	[smem:$0x3FB5] =	sst s6  }
0xf: {  	[smem:$0x3FB6] =	sst s7  }
0x10: {  	[smem:$0x3FB7] =	sst s8  }
0x11: {  	[smem:$0x3FB8] =	sst s9;
	s0 =	simm.s32 @!p0 $0x0  }
0x12: {  	s1 =	sld [smem:$0x3F9E];
	s0 =	simm.s32 @p0 $0x1  }
0x13: {  	[smem:$0x3FB9] =	sst s0;
	s0 =	simm.s32 @!p1 $0x0  }
0x14: {  	s2 =	sld [smem:$0x3F9D];
	s0 =	simm.s32 @p1 $0x1  }
0x15: {  	[smem:$0x3FBA] =	sst s0;
	s0 =	simm.s32 @!p2 $0x0  }
0x16: {  	s3 =	sld [smem:$0x3FDB];
	s0 =	simm.s32 @p2 $0x1  }
0x17: {  	s4 =	simm.s32 $0x1BF5;
	[smem:$0x3FBC] =	sst s0  }
0x18: {  	s0 =	sld [smem:$0x3F9F];
	_ =	swait.ge [sflag:s4], $0x0  }
0x19: {  	s7 =	sld [smem:$0x3FA0]  }
0x1a: {  	s8 =	sadd.s32 $0xFFFFE003, lr  }
0x1b: {  	s9 =	sadd.s32 $0xFFFFFEF7, lr;
	s5 =	simm.s32 $0xFFFFFFFF;
	p2 =	slt.u32 s8, $0xFFFFF086  }
0x1c: {  	p1 =	slt.u32 s9, $0xF7A;
	s5 =	simm.s32 @!p2 $0x0  }
0x1d: {  	s5 =	simm.s32 @p1 $0x1;
	p0 =	seq.s32 s7, s2  }
0x1e: {  	s7 =	smul.u32 @!p0 $0xF7A, s2;
	p2 =	seq.s32 @!p0 s5, $0x0  }
0x1f: {  	s9 =	smul.u32 $0xF7A, s1;
	s8 =	simm.s32 @!p0 $0x1BF5;
	p2 =	por !p2, p0  }
0x20: {  	[sflag:s8] =	ssyncset.s32 @!p0 $0xFFFFF086;
	s6 =	sadd.s32 @!p0 s3, s7;
	s7 =	simm.s32 @!p0 $0x108  }
0x21: {  	s3 =	sadd.s32 s3, s9;
	s6 =	sadd.s32 @!p0 $0x88, s6;
	s7 =	simm.s32 @p2 $0x1082  }
0x22: {  	[simem:s7], [sflag:s8] =	dma.local @!p0 [hbm:s6], $0xF7A  }
0x23: {  	s9 =	sor.u32 $0xD0000000, s2;
	s6 =	simm.s32 $0x108;
	_ =	swait.ge @!p0 [sflag:s8], $0x0  }
0x24: {  	s3 =	sadd.s32 $0x88, s3;
	s6 =	simm.s32 @!p1 $0x1082;
	[sflag:s4] =	ssyncset.s32 $0xFFFFF086  }
0x25: {  	[simem:s6], [sflag:s4] =	dma.local [hbm:s3], $0xF7A  }
0x26: {  	[smem:$0x3FA0] =	sst s1;
	(tag) =	ssettag s2;
	_ =	strace s9  }
0x27: {  	s1 =	sld [smem:$0x3FB0]  }
0x28: {  	s2 =	sld [smem:$0x3FB1]  }
0x29: {  	s4 =	sld [smem:$0x3FB3]  }
0x2a: {  	p0 =	seq.s32 s5, $0x0;
	s5 =	sld [smem:$0x3FB4]  }
0x2b: {  	s6 =	sld [smem:$0x3FB5]  }
0x2c: {  	s7 =	sld [smem:$0x3FB6]  }
0x2d: {  	s3 =	simm.s32 $0x108;
	s8 =	sld [smem:$0x3FB7]  }
0x2e: {  	s3 =	simm.s32 @!p0 $0x1082;
	s9 =	sld [smem:$0x3FB8]  }
0x2f: {  	lr =	sadd.s32 s0, s3;
	s0 =	sld [smem:$0x3FAF]  }
0x30: {  	s3 =	sld [smem:$0x3FB2]  }
0x31: {  	[smem:$0x3FBB] =	sst s10  }
0x32: {  	s10 =	sld [smem:$0x3FB9];
	_ =	sdelay $0x3  }
0x33: {  	p0 =	seq.s32 s10, $0x1;
	s10 =	sld [smem:$0x3FBB];
	_ =	sdelay $0x3  }
0x34: {  	[smem:$0x3FBB] =	sst s10  }
0x35: {  	s10 =	sld [smem:$0x3FBA];
	_ =	sdelay $0x3  }
0x36: {  	p1 =	seq.s32 s10, $0x1;
	s10 =	sld [smem:$0x3FBB];
	_ =	sdelay $0x3  }
0x37: {  	[smem:$0x3FBB] =	sst s10  }
0x38: {  	s10 =	sld [smem:$0x3FBC]  }
0x39: {  	_ = 	snop;
	(pc) =	sbr.ind lr, $3  }
0x3a: {  	_ = 	snop  }
0x3b: {  	_ = 	snop  }
0x3c: {  	p2 =	seq.s32 s10, $0x1;
	s10 =	sld [smem:$0x3FBB]  }
0x3d: {  	_ =	shalt  }
0x3e: {  	_ =	shalt  }
0x3f: {  	_ =	shalt  }
0x40: {  	_ =	shalt  }
0x41: {  	_ =	shalt  }
0x42: {  	_ =	shalt  }
0x43: {  	_ =	shalt  }
0x44: {  	_ =	shalt  }
0x45: {  	_ =	shalt  }
0x46: {  	_ =	shalt  }
0x47: {  	_ =	shalt  }
0x48: {  	_ =	shalt  }
0x49: {  	_ =	shalt  }
0x4a: {  	_ =	shalt  }
0x4b: {  	_ =	shalt  }
0x4c: {  	_ =	shalt  }
0x4d: {  	_ =	shalt  }
0x4e: {  	_ =	shalt  }
0x4f: {  	_ =	shalt  }
0x50: {  	_ =	shalt  }
0x51: {  	_ =	shalt  }
0x52: {  	_ =	shalt  }
0x53: {  	_ =	shalt  }
0x54: {  	_ =	shalt  }
0x55: {  	_ =	shalt  }
0x56: {  	_ =	shalt  }
0x57: {  	_ =	shalt  }
0x58: {  	_ =	shalt  }
0x59: {  	_ =	shalt  }
0x5a: {  	_ =	shalt  }
0x5b: {  	_ =	shalt  }
0x5c: {  	_ =	shalt  }
0x5d: {  	_ =	shalt  }
0x5e: {  	_ =	shalt  }
0x5f: {  	_ =	shalt  }
0x60: {  	_ =	shalt  }
0x61: {  	_ =	shalt  }
0x62: {  	_ =	shalt  }
0x63: {  	_ =	shalt  }
0x64: {  	_ =	shalt  }
0x65: {  	_ =	shalt  }
0x66: {  	_ =	shalt  }
0x67: {  	_ =	shalt  }
0x68: {  	_ =	shalt  }
0x69: {  	_ =	shalt  }
0x6a: {  	_ =	shalt  }
0x6b: {  	_ =	shalt  }
0x6c: {  	_ =	shalt  }
0x6d: {  	_ =	shalt  }
0x6e: {  	_ =	shalt  }
0x6f: {  	_ =	shalt  }
0x70: {  	_ =	shalt  }
0x71: {  	_ =	shalt  }
0x72: {  	_ =	shalt  }
0x73: {  	_ =	shalt  }
0x74: {  	_ =	shalt  }
0x75: {  	_ =	shalt  }
0x76: {  	_ =	shalt  }
0x77: {  	_ =	shalt  }
0x78: {  	_ =	shalt  }
0x79: {  	_ =	shalt  }
0x7a: {  	_ =	shalt  }
0x7b: {  	_ =	shalt  }
0x7c: {  	_ =	shalt  }
0x7d: {  	_ =	shalt  }
0x7e: {  	_ =	shalt  }
0x7f: {  	_ =	shalt  }
0x80: {  	_ =	shalt  }
0x81: {  	_ =	shalt  }
0x82: {  	_ =	shalt  }
0x83: {  	_ =	shalt  }
0x84: {  	_ =	shalt  }
0x85: {  	_ =	shalt  }
0x86: {  	_ =	shalt  }
0x87: {  	_ =	shalt  }
.Lfunc_end0:
.L_simem_size_0:
called_computation_lowered:
.L_overlay_start_0:
0x88: {  	s2 =	sld [smem:$0x3FD9]  }
0x89: {  	s3 =	sld [smem:$0x3FFE];
	_ =	sdelay $0x1  }
0x8a: {  	s1 =	srdreg.scid  }
0x8b: {  	s0 =	sand.u32 $0x1, s1  }
0x8c: {  	s18 =	sshll.u32 s0, $0xA;
	s2 =	sadd.s32 s3, s2  }
0x8d: {  	s2 =	sadd.s32 s2, s18  }
0x8e: {  	[smem:$0x3FC7] =	sst s2  }
0x8f: {  	_ = 	snop  }
0x90: {  	s2 =	sld [smem:$0x3FC9]  }
0x91: {  	s19 =	sld [smem:$0x3FD0];
	(tm) =	ssettm $0x1  }
0x92: {  	s4 =	sld [smem:$0x3FFB];
	_ =	sdelay $0x3  }
0x93: {  	_ =	strace s4  }
0x94: {  	s4 =	sld [smem:$0x3FFC];
	_ =	sdelay $0x3  }
0x95: {  	_ =	strace s4  }
0x96: {  	s4 =	sld [smem:$0x3FFD];
	_ =	sdelay $0x3  }
0x97: {  	_ =	strace s4  }
0x98: {  	_ =	strace $0x8FFFFFFF  }
0x99: {  	s20 =	sld [smem:$0x3FDB];
	_ =	sdelay $0x1  }
0x9a: {  	s5 =	simm.s32 $_scs_section_size  }
0x9b: {  	s6 =	simm.s32 $_size__tile_overlayer_lowered;
	s7 =	simm.s32 $_tile_overlayer_lowered  }
0x9c: {  	s23 =	simm.s32 $0x1BFF;
	s22 =	sshll.u32 s7, $0x1;
	s4 =	sadd.s32 s5, s20  }
0x9d: {  	s8 =	simm.s32 $0x0;
	s21 =	sshll.u32 s6, $0x1;
	s6 =	sadd.s32 s22, s4  }
0x9e: {  	[timem:s8], [sflag:s23] =	dma.local [hbm:s6], s21  }
0x9f: {  	_ =	swait.ge [sflag:s23], s21  }
0xa0: {  	s5 =	ssub.s32 $0x0, s21;
	[sflag:s23] =	ssyncset.done $0x0  }
0xa1: {  	[sflag:s23] =	ssyncadd.s32 s5;
	_ =	sdelay $0x1  }
0xa2: {  	s24 =	simm.s32 $0x1B8B  }
0xa3: {  	_ =	swait.ge [sflag:s24], $0x1  }
0xa4: {  	[sflag:s24] =	ssyncset.done $0x0  }
0xa5: {  	s25 =	simm.s32 $0x1B8E;
	[sflag:s24] =	ssyncadd.s32 $0xFFFFFFFF  }
0xa6: {  	s26 =	simm.s32 $execute0_lowered;
	[smem:$0x3FD2] =	sst s25  }
0xa7: {  	s5 =	sshll.u32 s26, $0x1;
	_ =	strace $0x80000046;
	[dreg:$0x1] =	wrdreg $0xFFFFFFFF  }
0xa8: {  	s28 =	simm.s32 $_size_execute0_lowered;
	s4 =	sadd.s32 s4, s5;
	[dreg:$0x0] =	wrdreg $0x0  }
0xa9: {  	s5 =	sshll.u32 s28, $0x1;
	[dreg:$0x2] =	wrdreg s4  }
0xaa: {  	[dreg:$0x3] =	wrdreg s5  }
0xab: {  	[dreg:$0x4] =	wrdreg $0xC0  }
0xac: {  	_ =	task [dreg:s8], $0x5FFFF  }
0xad: {  	[dreg:$0x1] =	wrdreg $0xFFFFFFFF  }
0xae: {  	[dreg:$0x0] =	wrdreg $0x60  }
0xaf: {  	[dreg:$0x2] =	wrdreg s2  }
0xb0: {  	[dreg:$0x3] =	wrdreg s19  }
0xb1: {  	[dreg:$0x4] =	wrdreg $0x9  }
0xb2: {  	_ =	task.clear_ibuf [dreg:s8], $0x5FFFF;
	_ =	strace $0x90000046  }
0xb3: {  	s29 =	simm.s32 $0x9;
	_ =	strace $0x80000048  }
0xb4: {  	_ =	swait.ge [sflag:s29], $0x1  }
0xb5: {  	[sflag:s29] =	ssyncadd.s32 $0xFFFFFFFF  }
0xb6: {  	_ =	strace $0x90000048  }
0xb7: {  	_ =	sfence  }
0xb8: {  	s30 =	sld [smem:$0x0];
	_ =	sdelay $0x2  }
0xb9: {  	s31 =	sshll.u32 s1, $0xD;
	s1 =	sshrl.u32 s1, $0x2  }
0xba: {  	s3 =	sand.u32 $0x4000, s31;
	s1 =	sadd.s32 s1, s30  }
0xbb: {  	s0 =	sor.u32 s3, s0;
	s1 =	sshll.u32 s1, $0x11  }
0xbc: {  	s0 =	sor.u32 s1, s0  }
0xbd: {  	s0 =	sadd.s32 $0x8F2B, s0  }
0xbe: {  	[sflag:s0] =	ssyncadd.remote.s32 $0x1  }
0xbf: {  	_ =	sfence.sel $0xFFFF  }
0xc0: {  	[dreg:$0x0] =	wrdreg $0xFFFFFFFF;
	(pc) =	sbr.abs _section_cstart, $3  }
0xc1: {  	[dreg:$0x1] =	wrdreg $0xFFFFFFFF  }
0xc2: {  	_ =	task.clear_ibuf [dreg:s8], $0x2FFFF;
	_ =	strace $0x9FFFFFFF  }
0xc3: {  	(tm) =	ssettm $0x7FFFFFFF  }
tec
execute0_lowered:
.L_overlay_start_1:
0x0: {  	(tag) =	ssettag $0x1  }
0x1: {  	s1 =	srdreg.scid  }
0x2: {  	s3 =	rddreg [dreg:$0x0];
	s4 =	stileid.u32;
	s5 =	sand.u32 $0x1, s1  }
0x3: {  	s2 =	simm.s32 $0x0;
	s14 =	sshll.u32 s4, $0x12;
	s15 =	sshll.u32 s5, $0x11  }
0x4: {  	[smem:$0x7FF] =	sst s2;
	s4 =	sor.u32 s15, s14  }
0x5: {  	s0 =	rddreg [dreg:$0x1];
	_ =	strace $0x80000047;
	s1 =	sadd.s32 s3, s4  }
0x6: {  	s16 =	sadd.s32 s0, s4;
	s6 =	sor.u32 $0x1000, s4;
	[dreg:$0x3] =	wrdreg s1  }
0x7: {  	[dreg:$0x4] =	wrdreg s16;
	s17 =	sadd.s32 s3, s6  }
0x8: {  	s19 =	sor.u32 $0x2000, s4;
	s18 =	sadd.s32 s0, s6;
	[dreg:$0x5] =	wrdreg s17  }
0x9: {  	s20 =	sadd.s32 s3, s19;
	[dreg:$0x6] =	wrdreg s18  }
0xa: {  	s22 =	sor.u32 $0x3000, s4;
	s21 =	sadd.s32 s0, s19;
	[dreg:$0x7] =	wrdreg s20  }
0xb: {  	s23 =	sadd.s32 s3, s22;
	[dreg:$0x8] =	wrdreg s21  }
0xc: {  	s25 =	sor.u32 $0x4000, s4;
	s24 =	sadd.s32 s0, s22;
	[dreg:$0x9] =	wrdreg s23  }
0xd: {  	s26 =	sadd.s32 s3, s25;
	[dreg:$0xa] =	wrdreg s24  }
0xe: {  	s7 =	sor.u32 $0x5000, s4;
	s6 =	sadd.s32 s0, s25;
	[dreg:$0xb] =	wrdreg s26  }
0xf: {  	s8 =	sadd.s32 s3, s7;
	[dreg:$0xc] =	wrdreg s6  }
0x10: {  	s10 =	sor.u32 $0x6000, s4;
	s9 =	sadd.s32 s0, s7;
	[dreg:$0xd] =	wrdreg s8  }
0x11: {  	s11 =	sadd.s32 s3, s10;
	[dreg:$0xe] =	wrdreg s9  }
0x12: {  	s13 =	sor.u32 $0x7000, s4;
	s12 =	sadd.s32 s0, s10;
	[dreg:$0xf] =	wrdreg s11  }
0x13: {  	s14 =	sadd.s32 s3, s13;
	[dreg:$0x10] =	wrdreg s12  }
0x14: {  	s15 =	sadd.s32 s0, s13;
	s16 =	sor.u32 $0x8000, s4;
	[dreg:$0x11] =	wrdreg s14  }
0x15: {  	s5 =	ssub.s32 $0x2, s5;
	[dreg:$0x12] =	wrdreg s15;
	s17 =	sadd.s32 s3, s16  }
0x16: {  	s19 =	sor.u32 $0x9000, s4;
	s18 =	sadd.s32 s0, s16;
	[dreg:$0x13] =	wrdreg s17  }
0x17: {  	s22 =	sor.u32 $0xA000, s4;
	s20 =	sadd.s32 s3, s19;
	[dreg:$0x14] =	wrdreg s18  }
0x18: {  	s25 =	sor.u32 $0xB000, s4;
	s21 =	sadd.s32 s0, s19;
	[dreg:$0x15] =	wrdreg s20  }
0x19: {  	s7 =	sor.u32 $0xC000, s4;
	s23 =	sadd.s32 s3, s22;
	[dreg:$0x16] =	wrdreg s21  }
0x1a: {  	s10 =	sor.u32 $0xD000, s4;
	s24 =	sadd.s32 s0, s22;
	[dreg:$0x17] =	wrdreg s23  }
0x1b: {  	s13 =	sor.u32 $0xE000, s4;
	s26 =	sadd.s32 s3, s25;
	[dreg:$0x18] =	wrdreg s24  }
0x1c: {  	s1 =	sor.u32 $0x1F000, s4;
	s6 =	sadd.s32 s0, s25;
	[dreg:$0x19] =	wrdreg s26  }
0x1d: {  	s8 =	sadd.s32 s3, s7;
	s9 =	sadd.s32 s0, s7;
	[dreg:$0x1a] =	wrdreg s6  }
0x1e: {  	s11 =	sadd.s32 s3, s10;
	s12 =	sadd.s32 s0, s10;
	[dreg:$0x1b] =	wrdreg s8  }
0x1f: {  	s14 =	sadd.s32 s3, s13;
	s15 =	sadd.s32 s0, s13;
	[dreg:$0x1c] =	wrdreg s9  }
0x20: {  	s16 =	sor.u32 $0xF000, s4;
	s19 =	sor.u32 $0x10000, s4;
	[dreg:$0x1d] =	wrdreg s11  }
0x21: {  	s22 =	sor.u32 $0x11000, s4;
	s25 =	sor.u32 $0x12000, s4;
	[dreg:$0x1e] =	wrdreg s12  }
0x22: {  	s7 =	sshrl.u32 s5, $0x1;
	s10 =	sor.u32 $0x16000, s4;
	[dreg:$0x1f] =	wrdreg s14  }
0x23: {  	s13 =	sor.u32 $0x19000, s4;
	[smem:$0x7F5] =	sst s15;
	s17 =	sadd.s32 s3, s16  }
0x24: {  	s18 =	sadd.s32 s0, s16;
	s20 =	sadd.s32 s3, s19;
	s21 =	sadd.s32 s0, s19  }
0x25: {  	s23 =	sadd.s32 s3, s22;
	s26 =	sadd.s32 s3, s25;
	[smem:$0x7F6] =	sst s17  }
0x26: {  	s5 =	ssub.s32 s5, s7;
	s7 =	sor.u32 $0x13000, s4;
	[smem:$0x7F7] =	sst s18  }
0x27: {  	s8 =	sor.u32 $0x14000, s4;
	s9 =	sor.u32 $0x15000, s4;
	[smem:$0x7F8] =	sst s20  }
0x28: {  	s11 =	sor.u32 $0x17000, s4;
	s12 =	sor.u32 $0x18000, s4;
	[smem:$0x7F9] =	sst s21  }
0x29: {  	s14 =	sor.u32 $0x1A000, s4;
	s16 =	sadd.s32 s0, s13;
	[smem:$0x7FD] =	sst s5  }
0x2a: {  	s6 =	sor.u32 $0x1B000, s4;
	[smem:$0x7FC] =	sst s26;
	s30 =	sadd.s32 s3, s7  }
0x2b: {  	s29 =	sadd.s32 s0, s7;
	s28 =	sadd.s32 s3, s8;
	s26 =	sadd.s32 s0, s8  }
0x2c: {  	s19 =	sadd.s32 s3, s12;
	s18 =	sadd.s32 s0, s12;
	s17 =	sadd.s32 s3, s13  }
0x2d: {  	s13 =	sadd.s32 s3, s6;
	s7 =	sor.u32 $0x1C000, s4;
	s12 =	sadd.s32 s0, s6  }
0x2e: {  	s8 =	sor.u32 $0x1D000, s4;
	s6 =	sor.u32 $0x1E000, s4;
	s4 =	sld [smem:$0x7FD]  }
0x2f: {  	p0 =	por $0x0, $0x0;
	s24 =	sadd.s32 s0, s22;
	[smem:$0x7FA] =	sst s23  }
0x30: {  	s31 =	sadd.s32 s0, s25;
	s22 =	sadd.s32 s0, s10;
	[smem:$0x7FB] =	sst s24  }
0x31: {  	s25 =	sadd.s32 s3, s9;
	s24 =	sadd.s32 s0, s9;
	s4 =	smax.u32 s4, $0x1  }
0x32: {  	s23 =	sadd.s32 s3, s10;
	s21 =	sadd.s32 s3, s11;
	p1 =	sne.s32 s4, $0x1  }
.Ltmp0:
0x33: {  	s20 =	sadd.s32 s0, s11;
	s15 =	sadd.s32 s3, s14;
	(pc) =	sbr.rel @!p1 .LBB2_3-.Ltmp0, $4  }
0x34: {  	s14 =	sadd.s32 s0, s14;
	s5 =	sadd.s32 s3, s1;
	s11 =	sadd.s32 s3, s7  }
0x35: {  	s10 =	sadd.s32 s0, s7;
	s9 =	sadd.s32 s3, s8;
	s8 =	sadd.s32 s0, s8  }
0x36: {  	s7 =	sadd.s32 s3, s6;
	s6 =	sadd.s32 s0, s6;
	s3 =	sadd.s32 s0, s1  }
0x37: {  	s1 =	rddreg [dreg:$0x3];
	s0 =	sadd.s32 $0xFFFFFFFF, s4;
	s4 =	simm.s32 $0x1  }
0x38: {  	[tilespmem:s2], [sflag:$0x1] =	stream.linear.gather [hbm4b:s1+s2], $0x8000, $0x38;
	[tilespmem:$0x8000] =	vst v63  }
0x39: {  	_ =	swait.ge [sflag:s4], $0x8000  }
0x3a: {  	[sflag:s4] =	ssyncset.done $0x0  }
0x3b: {  	s1 =	rddreg [dreg:$0x4];
	[sflag:s4] =	ssyncadd.s32 $0xFFFF8000  }
0x3c: {  	[hbm4b:s1+s2] =	stream.linear.scatter [tilespmem:s2], [sflag:$0x1], $0x8000, $0x38;
	[tilespmem:$0x8000] =	vst v63  }
0x3d: {  	_ =	swait.ge [sflag:s4], $0x8000  }
0x3e: {  	[sflag:s4] =	ssyncset.done $0x0  }
0x3f: {  	s1 =	rddreg [dreg:$0x5];
	[sflag:s4] =	ssyncadd.s32 $0xFFFF8000  }
0x40: {  	[tilespmem:s2], [sflag:$0x1] =	stream.linear.gather [hbm4b:s1+s2], $0x8000, $0x38;
	[tilespmem:$0x8000] =	vst v63  }
0x41: {  	_ =	swait.ge [sflag:s4], $0x8000  }
0x42: {  	[sflag:s4] =	ssyncset.done $0x0  }
0x43: {  	s1 =	rddreg [dreg:$0x6];
	[sflag:s4] =	ssyncadd.s32 $0xFFFF8000  }
0x44: {  	[hbm4b:s1+s2] =	stream.linear.scatter [tilespmem:s2], [sflag:$0x1], $0x8000, $0x38;
	[tilespmem:$0x8000] =	vst v63  }
0x45: {  	_ =	swait.ge [sflag:s4], $0x8000  }
0x46: {  	[sflag:s4] =	ssyncset.done $0x0  }
0x47: {  	s1 =	rddreg [dreg:$0x7];
	[sflag:s4] =	ssyncadd.s32 $0xFFFF8000  }
0x48: {  	[tilespmem:s2], [sflag:$0x1] =	stream.linear.gather [hbm4b:s1+s2], $0x8000, $0x38;
	[tilespmem:$0x8000] =	vst v63  }
0x49: {  	_ =	swait.ge [sflag:s4], $0x8000  }
0x4a: {  	[sflag:s4] =	ssyncset.done $0x0  }
0x4b: {  	s1 =	rddreg [dreg:$0x8];
	[sflag:s4] =	ssyncadd.s32 $0xFFFF8000  }
0x4c: {  	[hbm4b:s1+s2] =	stream.linear.scatter [tilespmem:s2], [sflag:$0x1], $0x8000, $0x38;
	[tilespmem:$0x8000] =	vst v63  }
0x4d: {  	_ =	swait.ge [sflag:s4], $0x8000  }
0x4e: {  	[sflag:s4] =	ssyncset.done $0x0  }
0x4f: {  	s1 =	rddreg [dreg:$0x9];
	[sflag:s4] =	ssyncadd.s32 $0xFFFF8000  }
0x50: {  	[tilespmem:s2], [sflag:$0x1] =	stream.linear.gather [hbm4b:s1+s2], $0x8000, $0x38;
	[tilespmem:$0x8000] =	vst v63  }
0x51: {  	_ =	swait.ge [sflag:s4], $0x8000  }
0x52: {  	[sflag:s4] =	ssyncset.done $0x0  }
0x53: {  	s1 =	rddreg [dreg:$0xa];
	[sflag:s4] =	ssyncadd.s32 $0xFFFF8000  }
0x54: {  	[hbm4b:s1+s2] =	stream.linear.scatter [tilespmem:s2], [sflag:$0x1], $0x8000, $0x38;
	[tilespmem:$0x8000] =	vst v63  }
0x55: {  	_ =	swait.ge [sflag:s4], $0x8000  }
0x56: {  	[sflag:s4] =	ssyncset.done $0x0  }
0x57: {  	s1 =	rddreg [dreg:$0xb];
	[sflag:s4] =	ssyncadd.s32 $0xFFFF8000  }
0x58: {  	[tilespmem:s2], [sflag:$0x1] =	stream.linear.gather [hbm4b:s1+s2], $0x8000, $0x38;
	[tilespmem:$0x8000] =	vst v63  }
0x59: {  	_ =	swait.ge [sflag:s4], $0x8000  }
0x5a: {  	[sflag:s4] =	ssyncset.done $0x0  }
0x5b: {  	s1 =	rddreg [dreg:$0xc];
	[sflag:s4] =	ssyncadd.s32 $0xFFFF8000  }
0x5c: {  	[hbm4b:s1+s2] =	stream.linear.scatter [tilespmem:s2], [sflag:$0x1], $0x8000, $0x38;
	[tilespmem:$0x8000] =	vst v63  }
0x5d: {  	_ =	swait.ge [sflag:s4], $0x8000  }
0x5e: {  	[sflag:s4] =	ssyncset.done $0x0  }
0x5f: {  	s1 =	rddreg [dreg:$0xd];
	[sflag:s4] =	ssyncadd.s32 $0xFFFF8000  }
0x60: {  	[tilespmem:s2], [sflag:$0x1] =	stream.linear.gather [hbm4b:s1+s2], $0x8000, $0x38;
	[tilespmem:$0x8000] =	vst v63  }
0x61: {  	_ =	swait.ge [sflag:s4], $0x8000  }
0x62: {  	[sflag:s4] =	ssyncset.done $0x0  }
0x63: {  	s1 =	rddreg [dreg:$0xe];
	[sflag:s4] =	ssyncadd.s32 $0xFFFF8000  }
0x64: {  	[hbm4b:s1+s2] =	stream.linear.scatter [tilespmem:s2], [sflag:$0x1], $0x8000, $0x38;
	[tilespmem:$0x8000] =	vst v63  }
0x65: {  	_ =	swait.ge [sflag:s4], $0x8000  }
0x66: {  	[sflag:s4] =	ssyncset.done $0x0  }
0x67: {  	s1 =	rddreg [dreg:$0xf];
	[sflag:s4] =	ssyncadd.s32 $0xFFFF8000  }
0x68: {  	[tilespmem:s2], [sflag:$0x1] =	stream.linear.gather [hbm4b:s1+s2], $0x8000, $0x38;
	[tilespmem:$0x8000] =	vst v63  }
0x69: {  	_ =	swait.ge [sflag:s4], $0x8000  }
0x6a: {  	[sflag:s4] =	ssyncset.done $0x0  }
0x6b: {  	s1 =	rddreg [dreg:$0x10];
	[sflag:s4] =	ssyncadd.s32 $0xFFFF8000  }
0x6c: {  	[hbm4b:s1+s2] =	stream.linear.scatter [tilespmem:s2], [sflag:$0x1], $0x8000, $0x38;
	[tilespmem:$0x8000] =	vst v63  }
0x6d: {  	_ =	swait.ge [sflag:s4], $0x8000  }
0x6e: {  	[sflag:s4] =	ssyncset.done $0x0  }
0x6f: {  	s1 =	rddreg [dreg:$0x11];
	[sflag:s4] =	ssyncadd.s32 $0xFFFF8000  }
0x70: {  	[tilespmem:s2], [sflag:$0x1] =	stream.linear.gather [hbm4b:s1+s2], $0x8000, $0x38;
	[tilespmem:$0x8000] =	vst v63  }
0x71: {  	_ =	swait.ge [sflag:s4], $0x8000  }
0x72: {  	[sflag:s4] =	ssyncset.done $0x0  }
0x73: {  	s1 =	rddreg [dreg:$0x12];
	[sflag:s4] =	ssyncadd.s32 $0xFFFF8000  }
0x74: {  	[hbm4b:s1+s2] =	stream.linear.scatter [tilespmem:s2], [sflag:$0x1], $0x8000, $0x38;
	[tilespmem:$0x8000] =	vst v63  }
0x75: {  	_ =	swait.ge [sflag:s4], $0x8000  }
0x76: {  	[sflag:s4] =	ssyncset.done $0x0  }
0x77: {  	s1 =	rddreg [dreg:$0x13];
	[sflag:s4] =	ssyncadd.s32 $0xFFFF8000  }
0x78: {  	[tilespmem:s2], [sflag:$0x1] =	stream.linear.gather [hbm4b:s1+s2], $0x8000, $0x38;
	[tilespmem:$0x8000] =	vst v63  }
0x79: {  	_ =	swait.ge [sflag:s4], $0x8000  }
0x7a: {  	[sflag:s4] =	ssyncset.done $0x0  }
0x7b: {  	s1 =	rddreg [dreg:$0x14];
	[sflag:s4] =	ssyncadd.s32 $0xFFFF8000  }
0x7c: {  	[hbm4b:s1+s2] =	stream.linear.scatter [tilespmem:s2], [sflag:$0x1], $0x8000, $0x38;
	[tilespmem:$0x8000] =	vst v63  }
0x7d: {  	_ =	swait.ge [sflag:s4], $0x8000  }
0x7e: {  	[sflag:s4] =	ssyncset.done $0x0  }
0x7f: {  	s1 =	rddreg [dreg:$0x15];
	[sflag:s4] =	ssyncadd.s32 $0xFFFF8000  }
0x80: {  	[tilespmem:s2], [sflag:$0x1] =	stream.linear.gather [hbm4b:s1+s2], $0x8000, $0x38;
	[tilespmem:$0x8000] =	vst v63  }
0x81: {  	_ =	swait.ge [sflag:s4], $0x8000  }
0x82: {  	[sflag:s4] =	ssyncset.done $0x0  }
0x83: {  	s1 =	rddreg [dreg:$0x16];
	[sflag:s4] =	ssyncadd.s32 $0xFFFF8000  }
0x84: {  	[hbm4b:s1+s2] =	stream.linear.scatter [tilespmem:s2], [sflag:$0x1], $0x8000, $0x38;
	[tilespmem:$0x8000] =	vst v63  }
0x85: {  	_ =	swait.ge [sflag:s4], $0x8000  }
0x86: {  	[sflag:s4] =	ssyncset.done $0x0  }
0x87: {  	s1 =	rddreg [dreg:$0x17];
	[sflag:s4] =	ssyncadd.s32 $0xFFFF8000  }
0x88: {  	[tilespmem:s2], [sflag:$0x1] =	stream.linear.gather [hbm4b:s1+s2], $0x8000, $0x38;
	[tilespmem:$0x8000] =	vst v63  }
0x89: {  	_ =	swait.ge [sflag:s4], $0x8000  }
0x8a: {  	[sflag:s4] =	ssyncset.done $0x0  }
0x8b: {  	s1 =	rddreg [dreg:$0x18];
	[sflag:s4] =	ssyncadd.s32 $0xFFFF8000  }
0x8c: {  	[hbm4b:s1+s2] =	stream.linear.scatter [tilespmem:s2], [sflag:$0x1], $0x8000, $0x38;
	[tilespmem:$0x8000] =	vst v63  }
0x8d: {  	_ =	swait.ge [sflag:s4], $0x8000  }
0x8e: {  	[sflag:s4] =	ssyncset.done $0x0  }
0x8f: {  	s1 =	rddreg [dreg:$0x19];
	[sflag:s4] =	ssyncadd.s32 $0xFFFF8000  }
0x90: {  	[tilespmem:s2], [sflag:$0x1] =	stream.linear.gather [hbm4b:s1+s2], $0x8000, $0x38;
	[tilespmem:$0x8000] =	vst v63  }
0x91: {  	_ =	swait.ge [sflag:s4], $0x8000  }
0x92: {  	[sflag:s4] =	ssyncset.done $0x0  }
0x93: {  	s1 =	rddreg [dreg:$0x1a];
	[sflag:s4] =	ssyncadd.s32 $0xFFFF8000  }
0x94: {  	[hbm4b:s1+s2] =	stream.linear.scatter [tilespmem:s2], [sflag:$0x1], $0x8000, $0x38;
	[tilespmem:$0x8000] =	vst v63  }
0x95: {  	_ =	swait.ge [sflag:s4], $0x8000  }
0x96: {  	[sflag:s4] =	ssyncset.done $0x0  }
0x97: {  	s1 =	rddreg [dreg:$0x1b];
	[sflag:s4] =	ssyncadd.s32 $0xFFFF8000  }
0x98: {  	[tilespmem:s2], [sflag:$0x1] =	stream.linear.gather [hbm4b:s1+s2], $0x8000, $0x38;
	[tilespmem:$0x8000] =	vst v63  }
0x99: {  	_ =	swait.ge [sflag:s4], $0x8000  }
0x9a: {  	[sflag:s4] =	ssyncset.done $0x0  }
0x9b: {  	s1 =	rddreg [dreg:$0x1c];
	[sflag:s4] =	ssyncadd.s32 $0xFFFF8000  }
0x9c: {  	[hbm4b:s1+s2] =	stream.linear.scatter [tilespmem:s2], [sflag:$0x1], $0x8000, $0x38;
	[tilespmem:$0x8000] =	vst v63  }
0x9d: {  	_ =	swait.ge [sflag:s4], $0x8000  }
0x9e: {  	[sflag:s4] =	ssyncset.done $0x0  }
0x9f: {  	s1 =	rddreg [dreg:$0x1d];
	[sflag:s4] =	ssyncadd.s32 $0xFFFF8000  }
0xa0: {  	[tilespmem:s2], [sflag:$0x1] =	stream.linear.gather [hbm4b:s1+s2], $0x8000, $0x38;
	[tilespmem:$0x8000] =	vst v63  }
0xa1: {  	_ =	swait.ge [sflag:s4], $0x8000  }
0xa2: {  	[sflag:s4] =	ssyncset.done $0x0  }
0xa3: {  	s1 =	rddreg [dreg:$0x1e];
	[sflag:s4] =	ssyncadd.s32 $0xFFFF8000  }
0xa4: {  	[hbm4b:s1+s2] =	stream.linear.scatter [tilespmem:s2], [sflag:$0x1], $0x8000, $0x38;
	[tilespmem:$0x8000] =	vst v63  }
0xa5: {  	_ =	swait.ge [sflag:s4], $0x8000  }
0xa6: {  	[sflag:s4] =	ssyncset.done $0x0  }
0xa7: {  	s1 =	rddreg [dreg:$0x1f];
	[sflag:s4] =	ssyncadd.s32 $0xFFFF8000  }
0xa8: {  	[tilespmem:s2], [sflag:$0x1] =	stream.linear.gather [hbm4b:s1+s2], $0x8000, $0x38;
	[tilespmem:$0x8000] =	vst v63  }
0xa9: {  	_ =	swait.ge [sflag:s4], $0x8000  }
0xaa: {  	s1 =	sld [smem:$0x7F5]  }
0xab: {  	[sflag:s4] =	ssyncset.done $0x0  }
0xac: {  	[sflag:s4] =	ssyncadd.s32 $0xFFFF8000  }
0xad: {  	[hbm4b:s1+s2] =	stream.linear.scatter [tilespmem:s2], [sflag:$0x1], $0x8000, $0x38;
	[tilespmem:$0x8000] =	vst v63  }
0xae: {  	_ =	swait.ge [sflag:s4], $0x8000  }
0xaf: {  	s1 =	sld [smem:$0x7F6]  }
0xb0: {  	[sflag:s4] =	ssyncset.done $0x0  }
0xb1: {  	[sflag:s4] =	ssyncadd.s32 $0xFFFF8000  }
0xb2: {  	[tilespmem:s2], [sflag:$0x1] =	stream.linear.gather [hbm4b:s1+s2], $0x8000, $0x38;
	[tilespmem:$0x8000] =	vst v63  }
0xb3: {  	_ =	swait.ge [sflag:s4], $0x8000  }
0xb4: {  	s1 =	sld [smem:$0x7F7]  }
0xb5: {  	[sflag:s4] =	ssyncset.done $0x0  }
0xb6: {  	[sflag:s4] =	ssyncadd.s32 $0xFFFF8000  }
0xb7: {  	[hbm4b:s1+s2] =	stream.linear.scatter [tilespmem:s2], [sflag:$0x1], $0x8000, $0x38;
	[tilespmem:$0x8000] =	vst v63  }
0xb8: {  	_ =	swait.ge [sflag:s4], $0x8000  }
0xb9: {  	s1 =	sld [smem:$0x7F8]  }
0xba: {  	[sflag:s4] =	ssyncset.done $0x0  }
0xbb: {  	[sflag:s4] =	ssyncadd.s32 $0xFFFF8000  }
0xbc: {  	[tilespmem:s2], [sflag:$0x1] =	stream.linear.gather [hbm4b:s1+s2], $0x8000, $0x38;
	[tilespmem:$0x8000] =	vst v63  }
0xbd: {  	_ =	swait.ge [sflag:s4], $0x8000  }
0xbe: {  	s1 =	sld [smem:$0x7F9]  }
0xbf: {  	[sflag:s4] =	ssyncset.done $0x0  }
0xc0: {  	[sflag:s4] =	ssyncadd.s32 $0xFFFF8000  }
0xc1: {  	[hbm4b:s1+s2] =	stream.linear.scatter [tilespmem:s2], [sflag:$0x1], $0x8000, $0x38;
	[tilespmem:$0x8000] =	vst v63  }
0xc2: {  	_ =	swait.ge [sflag:s4], $0x8000  }
0xc3: {  	s1 =	sld [smem:$0x7FA]  }
0xc4: {  	[sflag:s4] =	ssyncset.done $0x0  }
0xc5: {  	[sflag:s4] =	ssyncadd.s32 $0xFFFF8000  }
0xc6: {  	[tilespmem:s2], [sflag:$0x1] =	stream.linear.gather [hbm4b:s1+s2], $0x8000, $0x38;
	[tilespmem:$0x8000] =	vst v63  }
0xc7: {  	_ =	swait.ge [sflag:s4], $0x8000  }
0xc8: {  	s1 =	sld [smem:$0x7FB]  }
0xc9: {  	[sflag:s4] =	ssyncset.done $0x0  }
0xca: {  	[sflag:s4] =	ssyncadd.s32 $0xFFFF8000  }
0xcb: {  	[hbm4b:s1+s2] =	stream.linear.scatter [tilespmem:s2], [sflag:$0x1], $0x8000, $0x38;
	[tilespmem:$0x8000] =	vst v63  }
0xcc: {  	_ =	swait.ge [sflag:s4], $0x8000  }
0xcd: {  	s1 =	sld [smem:$0x7FC]  }
0xce: {  	[sflag:s4] =	ssyncset.done $0x0  }
0xcf: {  	[sflag:s4] =	ssyncadd.s32 $0xFFFF8000  }
0xd0: {  	[tilespmem:s2], [sflag:$0x1] =	stream.linear.gather [hbm4b:s1+s2], $0x8000, $0x38;
	[tilespmem:$0x8000] =	vst v63  }
0xd1: {  	_ =	swait.ge [sflag:s4], $0x8000  }
0xd2: {  	[sflag:s4] =	ssyncset.done $0x0  }
0xd3: {  	[sflag:s4] =	ssyncadd.s32 $0xFFFF8000  }
0xd4: {  	[hbm4b:s31+s2] =	stream.linear.scatter [tilespmem:s2], [sflag:$0x1], $0x8000, $0x38;
	[tilespmem:$0x8000] =	vst v63  }
0xd5: {  	_ =	swait.ge [sflag:s4], $0x8000  }
0xd6: {  	[sflag:s4] =	ssyncset.done $0x0  }
0xd7: {  	[sflag:s4] =	ssyncadd.s32 $0xFFFF8000  }
0xd8: {  	[tilespmem:s2], [sflag:$0x1] =	stream.linear.gather [hbm4b:s30+s2], $0x8000, $0x38;
	[tilespmem:$0x8000] =	vst v63  }
0xd9: {  	_ =	swait.ge [sflag:s4], $0x8000  }
0xda: {  	[sflag:s4] =	ssyncset.done $0x0  }
0xdb: {  	[sflag:s4] =	ssyncadd.s32 $0xFFFF8000  }
0xdc: {  	[hbm4b:s29+s2] =	stream.linear.scatter [tilespmem:s2], [sflag:$0x1], $0x8000, $0x38;
	[tilespmem:$0x8000] =	vst v63  }
0xdd: {  	_ =	swait.ge [sflag:s4], $0x8000  }
0xde: {  	[sflag:s4] =	ssyncset.done $0x0  }
0xdf: {  	[sflag:s4] =	ssyncadd.s32 $0xFFFF8000  }
0xe0: {  	[tilespmem:s2], [sflag:$0x1] =	stream.linear.gather [hbm4b:s28+s2], $0x8000, $0x38;
	[tilespmem:$0x8000] =	vst v63  }
0xe1: {  	_ =	swait.ge [sflag:s4], $0x8000  }
0xe2: {  	[sflag:s4] =	ssyncset.done $0x0  }
0xe3: {  	[sflag:s4] =	ssyncadd.s32 $0xFFFF8000  }
0xe4: {  	[hbm4b:s26+s2] =	stream.linear.scatter [tilespmem:s2], [sflag:$0x1], $0x8000, $0x38;
	[tilespmem:$0x8000] =	vst v63  }
0xe5: {  	_ =	swait.ge [sflag:s4], $0x8000  }
0xe6: {  	[sflag:s4] =	ssyncset.done $0x0  }
0xe7: {  	[sflag:s4] =	ssyncadd.s32 $0xFFFF8000  }
0xe8: {  	[tilespmem:s2], [sflag:$0x1] =	stream.linear.gather [hbm4b:s25+s2], $0x8000, $0x38;
	[tilespmem:$0x8000] =	vst v63  }
0xe9: {  	_ =	swait.ge [sflag:s4], $0x8000  }
0xea: {  	[sflag:s4] =	ssyncset.done $0x0  }
0xeb: {  	[sflag:s4] =	ssyncadd.s32 $0xFFFF8000  }
0xec: {  	[hbm4b:s24+s2] =	stream.linear.scatter [tilespmem:s2], [sflag:$0x1], $0x8000, $0x38;
	[tilespmem:$0x8000] =	vst v63  }
0xed: {  	_ =	swait.ge [sflag:s4], $0x8000  }
0xee: {  	[sflag:s4] =	ssyncset.done $0x0  }
0xef: {  	[sflag:s4] =	ssyncadd.s32 $0xFFFF8000  }
0xf0: {  	[tilespmem:s2], [sflag:$0x1] =	stream.linear.gather [hbm4b:s23+s2], $0x8000, $0x38;
	[tilespmem:$0x8000] =	vst v63  }
0xf1: {  	_ =	swait.ge [sflag:s4], $0x8000  }
0xf2: {  	[sflag:s4] =	ssyncset.done $0x0  }
0xf3: {  	[sflag:s4] =	ssyncadd.s32 $0xFFFF8000  }
0xf4: {  	[hbm4b:s22+s2] =	stream.linear.scatter [tilespmem:s2], [sflag:$0x1], $0x8000, $0x38;
	[tilespmem:$0x8000] =	vst v63  }
0xf5: {  	_ =	swait.ge [sflag:s4], $0x8000  }
0xf6: {  	[sflag:s4] =	ssyncset.done $0x0  }
0xf7: {  	[sflag:s4] =	ssyncadd.s32 $0xFFFF8000  }
0xf8: {  	[tilespmem:s2], [sflag:$0x1] =	stream.linear.gather [hbm4b:s21+s2], $0x8000, $0x38;
	[tilespmem:$0x8000] =	vst v63  }
0xf9: {  	_ =	swait.ge [sflag:s4], $0x8000  }
0xfa: {  	[sflag:s4] =	ssyncset.done $0x0  }
0xfb: {  	[sflag:s4] =	ssyncadd.s32 $0xFFFF8000  }
0xfc: {  	[hbm4b:s20+s2] =	stream.linear.scatter [tilespmem:s2], [sflag:$0x1], $0x8000, $0x38;
	[tilespmem:$0x8000] =	vst v63  }
0xfd: {  	_ =	swait.ge [sflag:s4], $0x8000  }
0xfe: {  	[sflag:s4] =	ssyncset.done $0x0  }
0xff: {  	[sflag:s4] =	ssyncadd.s32 $0xFFFF8000  }
0x100: {  	[tilespmem:s2], [sflag:$0x1] =	stream.linear.gather [hbm4b:s19+s2], $0x8000, $0x38;
	[tilespmem:$0x8000] =	vst v63  }
0x101: {  	_ =	swait.ge [sflag:s4], $0x8000  }
0x102: {  	[sflag:s4] =	ssyncset.done $0x0  }
0x103: {  	[sflag:s4] =	ssyncadd.s32 $0xFFFF8000  }
0x104: {  	[hbm4b:s18+s2] =	stream.linear.scatter [tilespmem:s2], [sflag:$0x1], $0x8000, $0x38;
	[tilespmem:$0x8000] =	vst v63  }
0x105: {  	_ =	swait.ge [sflag:s4], $0x8000  }
0x106: {  	[sflag:s4] =	ssyncset.done $0x0  }
0x107: {  	[sflag:s4] =	ssyncadd.s32 $0xFFFF8000  }
0x108: {  	[tilespmem:s2], [sflag:$0x1] =	stream.linear.gather [hbm4b:s17+s2], $0x8000, $0x38;
	[tilespmem:$0x8000] =	vst v63  }
0x109: {  	_ =	swait.ge [sflag:s4], $0x8000  }
0x10a: {  	[sflag:s4] =	ssyncset.done $0x0  }
0x10b: {  	[sflag:s4] =	ssyncadd.s32 $0xFFFF8000  }
0x10c: {  	[hbm4b:s16+s2] =	stream.linear.scatter [tilespmem:s2], [sflag:$0x1], $0x8000, $0x38;
	[tilespmem:$0x8000] =	vst v63  }
0x10d: {  	_ =	swait.ge [sflag:s4], $0x8000  }
0x10e: {  	[sflag:s4] =	ssyncset.done $0x0  }
0x10f: {  	[sflag:s4] =	ssyncadd.s32 $0xFFFF8000  }
0x110: {  	[tilespmem:s2], [sflag:$0x1] =	stream.linear.gather [hbm4b:s15+s2], $0x8000, $0x38;
	[tilespmem:$0x8000] =	vst v63  }
0x111: {  	_ =	swait.ge [sflag:s4], $0x8000  }
0x112: {  	[sflag:s4] =	ssyncset.done $0x0  }
0x113: {  	[sflag:s4] =	ssyncadd.s32 $0xFFFF8000  }
0x114: {  	[hbm4b:s14+s2] =	stream.linear.scatter [tilespmem:s2], [sflag:$0x1], $0x8000, $0x38;
	[tilespmem:$0x8000] =	vst v63  }
0x115: {  	_ =	swait.ge [sflag:s4], $0x8000  }
0x116: {  	[sflag:s4] =	ssyncset.done $0x0  }
0x117: {  	[sflag:s4] =	ssyncadd.s32 $0xFFFF8000  }
0x118: {  	[tilespmem:s2], [sflag:$0x1] =	stream.linear.gather [hbm4b:s13+s2], $0x8000, $0x38;
	[tilespmem:$0x8000] =	vst v63  }
0x119: {  	_ =	swait.ge [sflag:s4], $0x8000  }
0x11a: {  	[sflag:s4] =	ssyncset.done $0x0  }
0x11b: {  	[sflag:s4] =	ssyncadd.s32 $0xFFFF8000  }
0x11c: {  	[hbm4b:s12+s2] =	stream.linear.scatter [tilespmem:s2], [sflag:$0x1], $0x8000, $0x38;
	[tilespmem:$0x8000] =	vst v63  }
0x11d: {  	_ =	swait.ge [sflag:s4], $0x8000  }
0x11e: {  	[sflag:s4] =	ssyncset.done $0x0  }
0x11f: {  	[sflag:s4] =	ssyncadd.s32 $0xFFFF8000  }
0x120: {  	[tilespmem:s2], [sflag:$0x1] =	stream.linear.gather [hbm4b:s11+s2], $0x8000, $0x38;
	[tilespmem:$0x8000] =	vst v63  }
0x121: {  	_ =	swait.ge [sflag:s4], $0x8000  }
0x122: {  	[sflag:s4] =	ssyncset.done $0x0  }
0x123: {  	[sflag:s4] =	ssyncadd.s32 $0xFFFF8000  }
0x124: {  	[hbm4b:s10+s2] =	stream.linear.scatter [tilespmem:s2], [sflag:$0x1], $0x8000, $0x38;
	[tilespmem:$0x8000] =	vst v63  }
0x125: {  	_ =	swait.ge [sflag:s4], $0x8000  }
0x126: {  	[sflag:s4] =	ssyncset.done $0x0  }
0x127: {  	[sflag:s4] =	ssyncadd.s32 $0xFFFF8000  }
0x128: {  	[tilespmem:s2], [sflag:$0x1] =	stream.linear.gather [hbm4b:s9+s2], $0x8000, $0x38;
	[tilespmem:$0x8000] =	vst v63  }
0x129: {  	_ =	swait.ge [sflag:s4], $0x8000  }
0x12a: {  	[sflag:s4] =	ssyncset.done $0x0  }
0x12b: {  	[sflag:s4] =	ssyncadd.s32 $0xFFFF8000  }
0x12c: {  	[hbm4b:s8+s2] =	stream.linear.scatter [tilespmem:s2], [sflag:$0x1], $0x8000, $0x38;
	[tilespmem:$0x8000] =	vst v63  }
0x12d: {  	_ =	swait.ge [sflag:s4], $0x8000  }
0x12e: {  	[sflag:s4] =	ssyncset.done $0x0  }
0x12f: {  	[sflag:s4] =	ssyncadd.s32 $0xFFFF8000  }
0x130: {  	[tilespmem:s2], [sflag:$0x1] =	stream.linear.gather [hbm4b:s7+s2], $0x8000, $0x38;
	[tilespmem:$0x8000] =	vst v63  }
0x131: {  	_ =	swait.ge [sflag:s4], $0x8000  }
0x132: {  	[sflag:s4] =	ssyncset.done $0x0  }
0x133: {  	[sflag:s4] =	ssyncadd.s32 $0xFFFF8000  }
0x134: {  	[hbm4b:s6+s2] =	stream.linear.scatter [tilespmem:s2], [sflag:$0x1], $0x8000, $0x38;
	[tilespmem:$0x8000] =	vst v63  }
0x135: {  	_ =	swait.ge [sflag:s4], $0x8000  }
0x136: {  	[sflag:s4] =	ssyncset.done $0x0  }
0x137: {  	[sflag:s4] =	ssyncadd.s32 $0xFFFF8000  }
0x138: {  	[tilespmem:s2], [sflag:$0x1] =	stream.linear.gather [hbm4b:s5+s2], $0x8000, $0x38;
	[tilespmem:$0x8000] =	vst v63  }
0x139: {  	p1 =	sne.s32 s0, $0x1;
	_ =	swait.ge [sflag:s4], $0x8000  }
.Ltmp1:
0x13a: {  	[sflag:s4] =	ssyncset.done $0x0;
	(pc) =	sbr.rel @!p1 .LBB2_3-.Ltmp1, $4  }
0x13b: {  	[sflag:s4] =	ssyncadd.s32 $0xFFFF8000  }
0x13c: {  	[hbm4b:s3+s2] =	stream.linear.scatter [tilespmem:s2], [sflag:$0x1], $0x8000, $0x38;
	[tilespmem:$0x8000] =	vst v63  }
0x13d: {  	s0 =	sadd.s32 $0xFFFFFFFF, s0;
	_ =	swait.ge [sflag:s4], $0x8000  }
0x13e: {  	p0 =	por $0x1, $0x1;
	s1 =	rddreg [dreg:$0x3];
	[sflag:s4] =	ssyncset.done $0x0  }
.LBB2_2:
0x13f: {  	[sflag:s4] =	ssyncadd.s32 $0xFFFF8000  }
0x140: {  	[tilespmem:s2], [sflag:$0x1] =	stream.linear.gather [hbm4b:s1+s2], $0x8000, $0x38;
	[tilespmem:$0x8000] =	vst v63  }
0x141: {  	_ =	swait.ge [sflag:s4], $0x8000  }
0x142: {  	[sflag:s4] =	ssyncset.done $0x0  }
0x143: {  	s1 =	rddreg [dreg:$0x4];
	[sflag:s4] =	ssyncadd.s32 $0xFFFF8000  }
0x144: {  	[hbm4b:s1+s2] =	stream.linear.scatter [tilespmem:s2], [sflag:$0x1], $0x8000, $0x38;
	[tilespmem:$0x8000] =	vst v63  }
0x145: {  	_ =	swait.ge [sflag:s4], $0x8000  }
0x146: {  	[sflag:s4] =	ssyncset.done $0x0  }
0x147: {  	s1 =	rddreg [dreg:$0x5];
	[sflag:s4] =	ssyncadd.s32 $0xFFFF8000  }
0x148: {  	[tilespmem:s2], [sflag:$0x1] =	stream.linear.gather [hbm4b:s1+s2], $0x8000, $0x38;
	[tilespmem:$0x8000] =	vst v63  }
0x149: {  	_ =	swait.ge [sflag:s4], $0x8000  }
0x14a: {  	[sflag:s4] =	ssyncset.done $0x0  }
0x14b: {  	s1 =	rddreg [dreg:$0x6];
	[sflag:s4] =	ssyncadd.s32 $0xFFFF8000  }
0x14c: {  	[hbm4b:s1+s2] =	stream.linear.scatter [tilespmem:s2], [sflag:$0x1], $0x8000, $0x38;
	[tilespmem:$0x8000] =	vst v63  }
0x14d: {  	_ =	swait.ge [sflag:s4], $0x8000  }
0x14e: {  	[sflag:s4] =	ssyncset.done $0x0  }
0x14f: {  	s1 =	rddreg [dreg:$0x7];
	[sflag:s4] =	ssyncadd.s32 $0xFFFF8000  }
0x150: {  	[tilespmem:s2], [sflag:$0x1] =	stream.linear.gather [hbm4b:s1+s2], $0x8000, $0x38;
	[tilespmem:$0x8000] =	vst v63  }
0x151: {  	_ =	swait.ge [sflag:s4], $0x8000  }
0x152: {  	[sflag:s4] =	ssyncset.done $0x0  }
0x153: {  	s1 =	rddreg [dreg:$0x8];
	[sflag:s4] =	ssyncadd.s32 $0xFFFF8000  }
0x154: {  	[hbm4b:s1+s2] =	stream.linear.scatter [tilespmem:s2], [sflag:$0x1], $0x8000, $0x38;
	[tilespmem:$0x8000] =	vst v63  }
0x155: {  	_ =	swait.ge [sflag:s4], $0x8000  }
0x156: {  	[sflag:s4] =	ssyncset.done $0x0  }
0x157: {  	s1 =	rddreg [dreg:$0x9];
	[sflag:s4] =	ssyncadd.s32 $0xFFFF8000  }
0x158: {  	[tilespmem:s2], [sflag:$0x1] =	stream.linear.gather [hbm4b:s1+s2], $0x8000, $0x38;
	[tilespmem:$0x8000] =	vst v63  }
0x159: {  	_ =	swait.ge [sflag:s4], $0x8000  }
0x15a: {  	[sflag:s4] =	ssyncset.done $0x0  }
0x15b: {  	s1 =	rddreg [dreg:$0xa];
	[sflag:s4] =	ssyncadd.s32 $0xFFFF8000  }
0x15c: {  	[hbm4b:s1+s2] =	stream.linear.scatter [tilespmem:s2], [sflag:$0x1], $0x8000, $0x38;
	[tilespmem:$0x8000] =	vst v63  }
0x15d: {  	_ =	swait.ge [sflag:s4], $0x8000  }
0x15e: {  	[sflag:s4] =	ssyncset.done $0x0  }
0x15f: {  	s1 =	rddreg [dreg:$0xb];
	[sflag:s4] =	ssyncadd.s32 $0xFFFF8000  }
0x160: {  	[tilespmem:s2], [sflag:$0x1] =	stream.linear.gather [hbm4b:s1+s2], $0x8000, $0x38;
	[tilespmem:$0x8000] =	vst v63  }
0x161: {  	_ =	swait.ge [sflag:s4], $0x8000  }
0x162: {  	[sflag:s4] =	ssyncset.done $0x0  }
0x163: {  	s1 =	rddreg [dreg:$0xc];
	[sflag:s4] =	ssyncadd.s32 $0xFFFF8000  }
0x164: {  	[hbm4b:s1+s2] =	stream.linear.scatter [tilespmem:s2], [sflag:$0x1], $0x8000, $0x38;
	[tilespmem:$0x8000] =	vst v63  }
0x165: {  	_ =	swait.ge [sflag:s4], $0x8000  }
0x166: {  	[sflag:s4] =	ssyncset.done $0x0  }
0x167: {  	s1 =	rddreg [dreg:$0xd];
	[sflag:s4] =	ssyncadd.s32 $0xFFFF8000  }
0x168: {  	[tilespmem:s2], [sflag:$0x1] =	stream.linear.gather [hbm4b:s1+s2], $0x8000, $0x38;
	[tilespmem:$0x8000] =	vst v63  }
0x169: {  	_ =	swait.ge [sflag:s4], $0x8000  }
0x16a: {  	[sflag:s4] =	ssyncset.done $0x0  }
0x16b: {  	s1 =	rddreg [dreg:$0xe];
	[sflag:s4] =	ssyncadd.s32 $0xFFFF8000  }
0x16c: {  	[hbm4b:s1+s2] =	stream.linear.scatter [tilespmem:s2], [sflag:$0x1], $0x8000, $0x38;
	[tilespmem:$0x8000] =	vst v63  }
0x16d: {  	_ =	swait.ge [sflag:s4], $0x8000  }
0x16e: {  	[sflag:s4] =	ssyncset.done $0x0  }
0x16f: {  	s1 =	rddreg [dreg:$0xf];
	[sflag:s4] =	ssyncadd.s32 $0xFFFF8000  }
0x170: {  	[tilespmem:s2], [sflag:$0x1] =	stream.linear.gather [hbm4b:s1+s2], $0x8000, $0x38;
	[tilespmem:$0x8000] =	vst v63  }
0x171: {  	_ =	swait.ge [sflag:s4], $0x8000  }
0x172: {  	[sflag:s4] =	ssyncset.done $0x0  }
0x173: {  	s1 =	rddreg [dreg:$0x10];
	[sflag:s4] =	ssyncadd.s32 $0xFFFF8000  }
0x174: {  	[hbm4b:s1+s2] =	stream.linear.scatter [tilespmem:s2], [sflag:$0x1], $0x8000, $0x38;
	[tilespmem:$0x8000] =	vst v63  }
0x175: {  	_ =	swait.ge [sflag:s4], $0x8000  }
0x176: {  	[sflag:s4] =	ssyncset.done $0x0  }
0x177: {  	s1 =	rddreg [dreg:$0x11];
	[sflag:s4] =	ssyncadd.s32 $0xFFFF8000  }
0x178: {  	[tilespmem:s2], [sflag:$0x1] =	stream.linear.gather [hbm4b:s1+s2], $0x8000, $0x38;
	[tilespmem:$0x8000] =	vst v63  }
0x179: {  	_ =	swait.ge [sflag:s4], $0x8000  }
0x17a: {  	[sflag:s4] =	ssyncset.done $0x0  }
0x17b: {  	s1 =	rddreg [dreg:$0x12];
	[sflag:s4] =	ssyncadd.s32 $0xFFFF8000  }
0x17c: {  	[hbm4b:s1+s2] =	stream.linear.scatter [tilespmem:s2], [sflag:$0x1], $0x8000, $0x38;
	[tilespmem:$0x8000] =	vst v63  }
0x17d: {  	_ =	swait.ge [sflag:s4], $0x8000  }
0x17e: {  	[sflag:s4] =	ssyncset.done $0x0  }
0x17f: {  	s1 =	rddreg [dreg:$0x13];
	[sflag:s4] =	ssyncadd.s32 $0xFFFF8000  }
0x180: {  	[tilespmem:s2], [sflag:$0x1] =	stream.linear.gather [hbm4b:s1+s2], $0x8000, $0x38;
	[tilespmem:$0x8000] =	vst v63  }
0x181: {  	_ =	swait.ge [sflag:s4], $0x8000  }
0x182: {  	[sflag:s4] =	ssyncset.done $0x0  }
0x183: {  	s1 =	rddreg [dreg:$0x14];
	[sflag:s4] =	ssyncadd.s32 $0xFFFF8000  }
0x184: {  	[hbm4b:s1+s2] =	stream.linear.scatter [tilespmem:s2], [sflag:$0x1], $0x8000, $0x38;
	[tilespmem:$0x8000] =	vst v63  }
0x185: {  	_ =	swait.ge [sflag:s4], $0x8000  }
0x186: {  	[sflag:s4] =	ssyncset.done $0x0  }
0x187: {  	s1 =	rddreg [dreg:$0x15];
	[sflag:s4] =	ssyncadd.s32 $0xFFFF8000  }
0x188: {  	[tilespmem:s2], [sflag:$0x1] =	stream.linear.gather [hbm4b:s1+s2], $0x8000, $0x38;
	[tilespmem:$0x8000] =	vst v63  }
0x189: {  	_ =	swait.ge [sflag:s4], $0x8000  }
0x18a: {  	[sflag:s4] =	ssyncset.done $0x0  }
0x18b: {  	s1 =	rddreg [dreg:$0x16];
	[sflag:s4] =	ssyncadd.s32 $0xFFFF8000  }
0x18c: {  	[hbm4b:s1+s2] =	stream.linear.scatter [tilespmem:s2], [sflag:$0x1], $0x8000, $0x38;
	[tilespmem:$0x8000] =	vst v63  }
0x18d: {  	_ =	swait.ge [sflag:s4], $0x8000  }
0x18e: {  	[sflag:s4] =	ssyncset.done $0x0  }
0x18f: {  	s1 =	rddreg [dreg:$0x17];
	[sflag:s4] =	ssyncadd.s32 $0xFFFF8000  }
0x190: {  	[tilespmem:s2], [sflag:$0x1] =	stream.linear.gather [hbm4b:s1+s2], $0x8000, $0x38;
	[tilespmem:$0x8000] =	vst v63  }
0x191: {  	_ =	swait.ge [sflag:s4], $0x8000  }
0x192: {  	[sflag:s4] =	ssyncset.done $0x0  }
0x193: {  	s1 =	rddreg [dreg:$0x18];
	[sflag:s4] =	ssyncadd.s32 $0xFFFF8000  }
0x194: {  	[hbm4b:s1+s2] =	stream.linear.scatter [tilespmem:s2], [sflag:$0x1], $0x8000, $0x38;
	[tilespmem:$0x8000] =	vst v63  }
0x195: {  	_ =	swait.ge [sflag:s4], $0x8000  }
0x196: {  	[sflag:s4] =	ssyncset.done $0x0  }
0x197: {  	s1 =	rddreg [dreg:$0x19];
	[sflag:s4] =	ssyncadd.s32 $0xFFFF8000  }
0x198: {  	[tilespmem:s2], [sflag:$0x1] =	stream.linear.gather [hbm4b:s1+s2], $0x8000, $0x38;
	[tilespmem:$0x8000] =	vst v63  }
0x199: {  	_ =	swait.ge [sflag:s4], $0x8000  }
0x19a: {  	[sflag:s4] =	ssyncset.done $0x0  }
0x19b: {  	s1 =	rddreg [dreg:$0x1a];
	[sflag:s4] =	ssyncadd.s32 $0xFFFF8000  }
0x19c: {  	[hbm4b:s1+s2] =	stream.linear.scatter [tilespmem:s2], [sflag:$0x1], $0x8000, $0x38;
	[tilespmem:$0x8000] =	vst v63  }
0x19d: {  	_ =	swait.ge [sflag:s4], $0x8000  }
0x19e: {  	[sflag:s4] =	ssyncset.done $0x0  }
0x19f: {  	s1 =	rddreg [dreg:$0x1b];
	[sflag:s4] =	ssyncadd.s32 $0xFFFF8000  }
0x1a0: {  	[tilespmem:s2], [sflag:$0x1] =	stream.linear.gather [hbm4b:s1+s2], $0x8000, $0x38;
	[tilespmem:$0x8000] =	vst v63  }
0x1a1: {  	_ =	swait.ge [sflag:s4], $0x8000  }
0x1a2: {  	[sflag:s4] =	ssyncset.done $0x0  }
0x1a3: {  	s1 =	rddreg [dreg:$0x1c];
	[sflag:s4] =	ssyncadd.s32 $0xFFFF8000  }
0x1a4: {  	[hbm4b:s1+s2] =	stream.linear.scatter [tilespmem:s2], [sflag:$0x1], $0x8000, $0x38;
	[tilespmem:$0x8000] =	vst v63  }
0x1a5: {  	_ =	swait.ge [sflag:s4], $0x8000  }
0x1a6: {  	[sflag:s4] =	ssyncset.done $0x0  }
0x1a7: {  	s1 =	rddreg [dreg:$0x1d];
	[sflag:s4] =	ssyncadd.s32 $0xFFFF8000  }
0x1a8: {  	[tilespmem:s2], [sflag:$0x1] =	stream.linear.gather [hbm4b:s1+s2], $0x8000, $0x38;
	[tilespmem:$0x8000] =	vst v63  }
0x1a9: {  	_ =	swait.ge [sflag:s4], $0x8000  }
0x1aa: {  	[sflag:s4] =	ssyncset.done $0x0  }
0x1ab: {  	s1 =	rddreg [dreg:$0x1e];
	[sflag:s4] =	ssyncadd.s32 $0xFFFF8000  }
0x1ac: {  	[hbm4b:s1+s2] =	stream.linear.scatter [tilespmem:s2], [sflag:$0x1], $0x8000, $0x38;
	[tilespmem:$0x8000] =	vst v63  }
0x1ad: {  	_ =	swait.ge [sflag:s4], $0x8000  }
0x1ae: {  	[sflag:s4] =	ssyncset.done $0x0  }
0x1af: {  	s1 =	rddreg [dreg:$0x1f];
	[sflag:s4] =	ssyncadd.s32 $0xFFFF8000  }
0x1b0: {  	[tilespmem:s2], [sflag:$0x1] =	stream.linear.gather [hbm4b:s1+s2], $0x8000, $0x38;
	[tilespmem:$0x8000] =	vst v63  }
0x1b1: {  	_ =	swait.ge [sflag:s4], $0x8000  }
0x1b2: {  	s1 =	sld [smem:$0x7F5]  }
0x1b3: {  	[sflag:s4] =	ssyncset.done $0x0  }
0x1b4: {  	[sflag:s4] =	ssyncadd.s32 $0xFFFF8000  }
0x1b5: {  	[hbm4b:s1+s2] =	stream.linear.scatter [tilespmem:s2], [sflag:$0x1], $0x8000, $0x38;
	[tilespmem:$0x8000] =	vst v63  }
0x1b6: {  	_ =	swait.ge [sflag:s4], $0x8000  }
0x1b7: {  	s1 =	sld [smem:$0x7F6]  }
0x1b8: {  	[sflag:s4] =	ssyncset.done $0x0  }
0x1b9: {  	[sflag:s4] =	ssyncadd.s32 $0xFFFF8000  }
0x1ba: {  	[tilespmem:s2], [sflag:$0x1] =	stream.linear.gather [hbm4b:s1+s2], $0x8000, $0x38;
	[tilespmem:$0x8000] =	vst v63  }
0x1bb: {  	_ =	swait.ge [sflag:s4], $0x8000  }
0x1bc: {  	s1 =	sld [smem:$0x7F7]  }
0x1bd: {  	[sflag:s4] =	ssyncset.done $0x0  }
0x1be: {  	[sflag:s4] =	ssyncadd.s32 $0xFFFF8000  }
0x1bf: {  	[hbm4b:s1+s2] =	stream.linear.scatter [tilespmem:s2], [sflag:$0x1], $0x8000, $0x38;
	[tilespmem:$0x8000] =	vst v63  }
0x1c0: {  	_ =	swait.ge [sflag:s4], $0x8000  }
0x1c1: {  	s1 =	sld [smem:$0x7F8]  }
0x1c2: {  	[sflag:s4] =	ssyncset.done $0x0  }
0x1c3: {  	[sflag:s4] =	ssyncadd.s32 $0xFFFF8000  }
0x1c4: {  	[tilespmem:s2], [sflag:$0x1] =	stream.linear.gather [hbm4b:s1+s2], $0x8000, $0x38;
	[tilespmem:$0x8000] =	vst v63  }
0x1c5: {  	_ =	swait.ge [sflag:s4], $0x8000  }
0x1c6: {  	s1 =	sld [smem:$0x7F9]  }
0x1c7: {  	[sflag:s4] =	ssyncset.done $0x0  }
0x1c8: {  	[sflag:s4] =	ssyncadd.s32 $0xFFFF8000  }
0x1c9: {  	[hbm4b:s1+s2] =	stream.linear.scatter [tilespmem:s2], [sflag:$0x1], $0x8000, $0x38;
	[tilespmem:$0x8000] =	vst v63  }
0x1ca: {  	_ =	swait.ge [sflag:s4], $0x8000  }
0x1cb: {  	s1 =	sld [smem:$0x7FA]  }
0x1cc: {  	[sflag:s4] =	ssyncset.done $0x0  }
0x1cd: {  	[sflag:s4] =	ssyncadd.s32 $0xFFFF8000  }
0x1ce: {  	[tilespmem:s2], [sflag:$0x1] =	stream.linear.gather [hbm4b:s1+s2], $0x8000, $0x38;
	[tilespmem:$0x8000] =	vst v63  }
0x1cf: {  	_ =	swait.ge [sflag:s4], $0x8000  }
0x1d0: {  	s1 =	sld [smem:$0x7FB]  }
0x1d1: {  	[sflag:s4] =	ssyncset.done $0x0  }
0x1d2: {  	[sflag:s4] =	ssyncadd.s32 $0xFFFF8000  }
0x1d3: {  	[hbm4b:s1+s2] =	stream.linear.scatter [tilespmem:s2], [sflag:$0x1], $0x8000, $0x38;
	[tilespmem:$0x8000] =	vst v63  }
0x1d4: {  	_ =	swait.ge [sflag:s4], $0x8000  }
0x1d5: {  	s1 =	sld [smem:$0x7FC]  }
0x1d6: {  	[sflag:s4] =	ssyncset.done $0x0  }
0x1d7: {  	[sflag:s4] =	ssyncadd.s32 $0xFFFF8000  }
0x1d8: {  	[tilespmem:s2], [sflag:$0x1] =	stream.linear.gather [hbm4b:s1+s2], $0x8000, $0x38;
	[tilespmem:$0x8000] =	vst v63  }
0x1d9: {  	_ =	swait.ge [sflag:s4], $0x8000  }
0x1da: {  	[sflag:s4] =	ssyncset.done $0x0  }
0x1db: {  	[sflag:s4] =	ssyncadd.s32 $0xFFFF8000  }
0x1dc: {  	[hbm4b:s31+s2] =	stream.linear.scatter [tilespmem:s2], [sflag:$0x1], $0x8000, $0x38;
	[tilespmem:$0x8000] =	vst v63  }
0x1dd: {  	_ =	swait.ge [sflag:s4], $0x8000  }
0x1de: {  	[sflag:s4] =	ssyncset.done $0x0  }
0x1df: {  	[sflag:s4] =	ssyncadd.s32 $0xFFFF8000  }
0x1e0: {  	[tilespmem:s2], [sflag:$0x1] =	stream.linear.gather [hbm4b:s30+s2], $0x8000, $0x38;
	[tilespmem:$0x8000] =	vst v63  }
0x1e1: {  	_ =	swait.ge [sflag:s4], $0x8000  }
0x1e2: {  	[sflag:s4] =	ssyncset.done $0x0  }
0x1e3: {  	[sflag:s4] =	ssyncadd.s32 $0xFFFF8000  }
0x1e4: {  	[hbm4b:s29+s2] =	stream.linear.scatter [tilespmem:s2], [sflag:$0x1], $0x8000, $0x38;
	[tilespmem:$0x8000] =	vst v63  }
0x1e5: {  	_ =	swait.ge [sflag:s4], $0x8000  }
0x1e6: {  	[sflag:s4] =	ssyncset.done $0x0  }
0x1e7: {  	[sflag:s4] =	ssyncadd.s32 $0xFFFF8000  }
0x1e8: {  	[tilespmem:s2], [sflag:$0x1] =	stream.linear.gather [hbm4b:s28+s2], $0x8000, $0x38;
	[tilespmem:$0x8000] =	vst v63  }
0x1e9: {  	_ =	swait.ge [sflag:s4], $0x8000  }
0x1ea: {  	[sflag:s4] =	ssyncset.done $0x0  }
0x1eb: {  	[sflag:s4] =	ssyncadd.s32 $0xFFFF8000  }
0x1ec: {  	[hbm4b:s26+s2] =	stream.linear.scatter [tilespmem:s2], [sflag:$0x1], $0x8000, $0x38;
	[tilespmem:$0x8000] =	vst v63  }
0x1ed: {  	_ =	swait.ge [sflag:s4], $0x8000  }
0x1ee: {  	[sflag:s4] =	ssyncset.done $0x0  }
0x1ef: {  	[sflag:s4] =	ssyncadd.s32 $0xFFFF8000  }
0x1f0: {  	[tilespmem:s2], [sflag:$0x1] =	stream.linear.gather [hbm4b:s25+s2], $0x8000, $0x38;
	[tilespmem:$0x8000] =	vst v63  }
0x1f1: {  	_ =	swait.ge [sflag:s4], $0x8000  }
0x1f2: {  	[sflag:s4] =	ssyncset.done $0x0  }
0x1f3: {  	[sflag:s4] =	ssyncadd.s32 $0xFFFF8000  }
0x1f4: {  	[hbm4b:s24+s2] =	stream.linear.scatter [tilespmem:s2], [sflag:$0x1], $0x8000, $0x38;
	[tilespmem:$0x8000] =	vst v63  }
0x1f5: {  	_ =	swait.ge [sflag:s4], $0x8000  }
0x1f6: {  	[sflag:s4] =	ssyncset.done $0x0  }
0x1f7: {  	[sflag:s4] =	ssyncadd.s32 $0xFFFF8000  }
0x1f8: {  	[tilespmem:s2], [sflag:$0x1] =	stream.linear.gather [hbm4b:s23+s2], $0x8000, $0x38;
	[tilespmem:$0x8000] =	vst v63  }
0x1f9: {  	_ =	swait.ge [sflag:s4], $0x8000  }
0x1fa: {  	[sflag:s4] =	ssyncset.done $0x0  }
0x1fb: {  	[sflag:s4] =	ssyncadd.s32 $0xFFFF8000  }
0x1fc: {  	[hbm4b:s22+s2] =	stream.linear.scatter [tilespmem:s2], [sflag:$0x1], $0x8000, $0x38;
	[tilespmem:$0x8000] =	vst v63  }
0x1fd: {  	_ =	swait.ge [sflag:s4], $0x8000  }
0x1fe: {  	[sflag:s4] =	ssyncset.done $0x0  }
0x1ff: {  	[sflag:s4] =	ssyncadd.s32 $0xFFFF8000  }
0x200: {  	[tilespmem:s2], [sflag:$0x1] =	stream.linear.gather [hbm4b:s21+s2], $0x8000, $0x38;
	[tilespmem:$0x8000] =	vst v63  }
0x201: {  	_ =	swait.ge [sflag:s4], $0x8000  }
0x202: {  	[sflag:s4] =	ssyncset.done $0x0  }
0x203: {  	[sflag:s4] =	ssyncadd.s32 $0xFFFF8000  }
0x204: {  	[hbm4b:s20+s2] =	stream.linear.scatter [tilespmem:s2], [sflag:$0x1], $0x8000, $0x38;
	[tilespmem:$0x8000] =	vst v63  }
0x205: {  	_ =	swait.ge [sflag:s4], $0x8000  }
0x206: {  	[sflag:s4] =	ssyncset.done $0x0  }
0x207: {  	[sflag:s4] =	ssyncadd.s32 $0xFFFF8000  }
0x208: {  	[tilespmem:s2], [sflag:$0x1] =	stream.linear.gather [hbm4b:s19+s2], $0x8000, $0x38;
	[tilespmem:$0x8000] =	vst v63  }
0x209: {  	_ =	swait.ge [sflag:s4], $0x8000  }
0x20a: {  	[sflag:s4] =	ssyncset.done $0x0  }
0x20b: {  	[sflag:s4] =	ssyncadd.s32 $0xFFFF8000  }
0x20c: {  	[hbm4b:s18+s2] =	stream.linear.scatter [tilespmem:s2], [sflag:$0x1], $0x8000, $0x38;
	[tilespmem:$0x8000] =	vst v63  }
0x20d: {  	_ =	swait.ge [sflag:s4], $0x8000  }
0x20e: {  	[sflag:s4] =	ssyncset.done $0x0  }
0x20f: {  	[sflag:s4] =	ssyncadd.s32 $0xFFFF8000  }
0x210: {  	[tilespmem:s2], [sflag:$0x1] =	stream.linear.gather [hbm4b:s17+s2], $0x8000, $0x38;
	[tilespmem:$0x8000] =	vst v63  }
0x211: {  	_ =	swait.ge [sflag:s4], $0x8000  }
0x212: {  	[sflag:s4] =	ssyncset.done $0x0  }
0x213: {  	[sflag:s4] =	ssyncadd.s32 $0xFFFF8000  }
0x214: {  	[hbm4b:s16+s2] =	stream.linear.scatter [tilespmem:s2], [sflag:$0x1], $0x8000, $0x38;
	[tilespmem:$0x8000] =	vst v63  }
0x215: {  	_ =	swait.ge [sflag:s4], $0x8000  }
0x216: {  	[sflag:s4] =	ssyncset.done $0x0  }
0x217: {  	[sflag:s4] =	ssyncadd.s32 $0xFFFF8000  }
0x218: {  	[tilespmem:s2], [sflag:$0x1] =	stream.linear.gather [hbm4b:s15+s2], $0x8000, $0x38;
	[tilespmem:$0x8000] =	vst v63  }
0x219: {  	_ =	swait.ge [sflag:s4], $0x8000  }
0x21a: {  	[sflag:s4] =	ssyncset.done $0x0  }
0x21b: {  	[sflag:s4] =	ssyncadd.s32 $0xFFFF8000  }
0x21c: {  	[hbm4b:s14+s2] =	stream.linear.scatter [tilespmem:s2], [sflag:$0x1], $0x8000, $0x38;
	[tilespmem:$0x8000] =	vst v63  }
0x21d: {  	_ =	swait.ge [sflag:s4], $0x8000  }
0x21e: {  	[sflag:s4] =	ssyncset.done $0x0  }
0x21f: {  	[sflag:s4] =	ssyncadd.s32 $0xFFFF8000  }
0x220: {  	[tilespmem:s2], [sflag:$0x1] =	stream.linear.gather [hbm4b:s13+s2], $0x8000, $0x38;
	[tilespmem:$0x8000] =	vst v63  }
0x221: {  	_ =	swait.ge [sflag:s4], $0x8000  }
0x222: {  	[sflag:s4] =	ssyncset.done $0x0  }
0x223: {  	[sflag:s4] =	ssyncadd.s32 $0xFFFF8000  }
0x224: {  	[hbm4b:s12+s2] =	stream.linear.scatter [tilespmem:s2], [sflag:$0x1], $0x8000, $0x38;
	[tilespmem:$0x8000] =	vst v63  }
0x225: {  	_ =	swait.ge [sflag:s4], $0x8000  }
0x226: {  	[sflag:s4] =	ssyncset.done $0x0  }
0x227: {  	[sflag:s4] =	ssyncadd.s32 $0xFFFF8000  }
0x228: {  	[tilespmem:s2], [sflag:$0x1] =	stream.linear.gather [hbm4b:s11+s2], $0x8000, $0x38;
	[tilespmem:$0x8000] =	vst v63  }
0x229: {  	_ =	swait.ge [sflag:s4], $0x8000  }
0x22a: {  	[sflag:s4] =	ssyncset.done $0x0  }
0x22b: {  	[sflag:s4] =	ssyncadd.s32 $0xFFFF8000  }
0x22c: {  	[hbm4b:s10+s2] =	stream.linear.scatter [tilespmem:s2], [sflag:$0x1], $0x8000, $0x38;
	[tilespmem:$0x8000] =	vst v63  }
0x22d: {  	_ =	swait.ge [sflag:s4], $0x8000  }
0x22e: {  	[sflag:s4] =	ssyncset.done $0x0  }
0x22f: {  	[sflag:s4] =	ssyncadd.s32 $0xFFFF8000  }
0x230: {  	[tilespmem:s2], [sflag:$0x1] =	stream.linear.gather [hbm4b:s9+s2], $0x8000, $0x38;
	[tilespmem:$0x8000] =	vst v63  }
0x231: {  	_ =	swait.ge [sflag:s4], $0x8000  }
0x232: {  	[sflag:s4] =	ssyncset.done $0x0  }
0x233: {  	[sflag:s4] =	ssyncadd.s32 $0xFFFF8000  }
0x234: {  	[hbm4b:s8+s2] =	stream.linear.scatter [tilespmem:s2], [sflag:$0x1], $0x8000, $0x38;
	[tilespmem:$0x8000] =	vst v63  }
0x235: {  	_ =	swait.ge [sflag:s4], $0x8000  }
0x236: {  	[sflag:s4] =	ssyncset.done $0x0  }
0x237: {  	[sflag:s4] =	ssyncadd.s32 $0xFFFF8000  }
0x238: {  	[tilespmem:s2], [sflag:$0x1] =	stream.linear.gather [hbm4b:s7+s2], $0x8000, $0x38;
	[tilespmem:$0x8000] =	vst v63  }
0x239: {  	_ =	swait.ge [sflag:s4], $0x8000  }
0x23a: {  	[sflag:s4] =	ssyncset.done $0x0  }
0x23b: {  	[sflag:s4] =	ssyncadd.s32 $0xFFFF8000  }
0x23c: {  	[hbm4b:s6+s2] =	stream.linear.scatter [tilespmem:s2], [sflag:$0x1], $0x8000, $0x38;
	[tilespmem:$0x8000] =	vst v63  }
0x23d: {  	_ =	swait.ge [sflag:s4], $0x8000  }
0x23e: {  	[sflag:s4] =	ssyncset.done $0x0  }
0x23f: {  	[sflag:s4] =	ssyncadd.s32 $0xFFFF8000  }
0x240: {  	[tilespmem:s2], [sflag:$0x1] =	stream.linear.gather [hbm4b:s5+s2], $0x8000, $0x38;
	[tilespmem:$0x8000] =	vst v63  }
0x241: {  	p1 =	sne.s32 s0, $0x1;
	_ =	swait.ge [sflag:s4], $0x8000  }
.Ltmp2:
0x242: {  	[sflag:s4] =	ssyncset.done $0x0;
	(pc) =	sbr.rel @p1 .LBB2_2-.Ltmp2, $4  }
0x243: {  	[sflag:s4] =	ssyncadd.s32 $0xFFFF8000  }
0x244: {  	[hbm4b:s3+s2] =	stream.linear.scatter [tilespmem:s2], [sflag:$0x1], $0x8000, $0x38;
	[tilespmem:$0x8000] =	vst v63  }
0x245: {  	_ =	swait.ge [sflag:s4], $0x8000  }
0x246: {  	s0 =	sadd.s32 $0xFFFFFFFF, s0;
	s1 =	rddreg [dreg:$0x3];
	[sflag:s4] =	ssyncset.done $0x0  }
.LBB2_3:
0x247: {  	[sflag:s4] =	ssyncadd.s32 @p0 $0xFFFF8000  }
0x248: {  	[tilespmem:s2], [sflag:$0x1] =	stream.linear.gather [hbm4b:s1+s2], $0x8000, $0x38;
	[tilespmem:$0x8000] =	vst v63  }
0x249: {  	_ =	swait.ge [sflag:s4], $0x8000  }
0x24a: {  	[sflag:s4] =	ssyncset.done $0x0  }
0x24b: {  	s0 =	rddreg [dreg:$0x4];
	[sflag:s4] =	ssyncadd.s32 $0xFFFF8000  }
0x24c: {  	[hbm4b:s0+s2] =	stream.linear.scatter [tilespmem:s2], [sflag:$0x1], $0x8000, $0x38;
	[tilespmem:$0x8000] =	vst v63  }
0x24d: {  	_ =	swait.ge [sflag:s4], $0x8000  }
0x24e: {  	[sflag:s4] =	ssyncset.done $0x0  }
0x24f: {  	s1 =	rddreg [dreg:$0x5];
	[sflag:s4] =	ssyncadd.s32 $0xFFFF8000  }
0x250: {  	[tilespmem:s2], [sflag:$0x1] =	stream.linear.gather [hbm4b:s1+s2], $0x8000, $0x38;
	[tilespmem:$0x8000] =	vst v63  }
0x251: {  	_ =	swait.ge [sflag:s4], $0x8000  }
0x252: {  	[sflag:s4] =	ssyncset.done $0x0  }
0x253: {  	s1 =	rddreg [dreg:$0x6];
	[sflag:s4] =	ssyncadd.s32 $0xFFFF8000  }
0x254: {  	[hbm4b:s1+s2] =	stream.linear.scatter [tilespmem:s2], [sflag:$0x1], $0x8000, $0x38;
	[tilespmem:$0x8000] =	vst v63  }
0x255: {  	_ =	swait.ge [sflag:s4], $0x8000  }
0x256: {  	[sflag:s4] =	ssyncset.done $0x0  }
0x257: {  	s1 =	rddreg [dreg:$0x7];
	[sflag:s4] =	ssyncadd.s32 $0xFFFF8000  }
0x258: {  	[tilespmem:s2], [sflag:$0x1] =	stream.linear.gather [hbm4b:s1+s2], $0x8000, $0x38;
	[tilespmem:$0x8000] =	vst v63  }
0x259: {  	_ =	swait.ge [sflag:s4], $0x8000  }
0x25a: {  	[sflag:s4] =	ssyncset.done $0x0  }
0x25b: {  	s1 =	rddreg [dreg:$0x8];
	[sflag:s4] =	ssyncadd.s32 $0xFFFF8000  }
0x25c: {  	[hbm4b:s1+s2] =	stream.linear.scatter [tilespmem:s2], [sflag:$0x1], $0x8000, $0x38;
	[tilespmem:$0x8000] =	vst v63  }
0x25d: {  	_ =	swait.ge [sflag:s4], $0x8000  }
0x25e: {  	[sflag:s4] =	ssyncset.done $0x0  }
0x25f: {  	s1 =	rddreg [dreg:$0x9];
	[sflag:s4] =	ssyncadd.s32 $0xFFFF8000  }
0x260: {  	[tilespmem:s2], [sflag:$0x1] =	stream.linear.gather [hbm4b:s1+s2], $0x8000, $0x38;
	[tilespmem:$0x8000] =	vst v63  }
0x261: {  	_ =	swait.ge [sflag:s4], $0x8000  }
0x262: {  	[sflag:s4] =	ssyncset.done $0x0  }
0x263: {  	s1 =	rddreg [dreg:$0xa];
	[sflag:s4] =	ssyncadd.s32 $0xFFFF8000  }
0x264: {  	[hbm4b:s1+s2] =	stream.linear.scatter [tilespmem:s2], [sflag:$0x1], $0x8000, $0x38;
	[tilespmem:$0x8000] =	vst v63  }
0x265: {  	_ =	swait.ge [sflag:s4], $0x8000  }
0x266: {  	[sflag:s4] =	ssyncset.done $0x0  }
0x267: {  	s1 =	rddreg [dreg:$0xb];
	[sflag:s4] =	ssyncadd.s32 $0xFFFF8000  }
0x268: {  	[tilespmem:s2], [sflag:$0x1] =	stream.linear.gather [hbm4b:s1+s2], $0x8000, $0x38;
	[tilespmem:$0x8000] =	vst v63  }
0x269: {  	_ =	swait.ge [sflag:s4], $0x8000  }
0x26a: {  	[sflag:s4] =	ssyncset.done $0x0  }
0x26b: {  	s1 =	rddreg [dreg:$0xc];
	[sflag:s4] =	ssyncadd.s32 $0xFFFF8000  }
0x26c: {  	[hbm4b:s1+s2] =	stream.linear.scatter [tilespmem:s2], [sflag:$0x1], $0x8000, $0x38;
	[tilespmem:$0x8000] =	vst v63  }
0x26d: {  	_ =	swait.ge [sflag:s4], $0x8000  }
0x26e: {  	[sflag:s4] =	ssyncset.done $0x0  }
0x26f: {  	s1 =	rddreg [dreg:$0xd];
	[sflag:s4] =	ssyncadd.s32 $0xFFFF8000  }
0x270: {  	[tilespmem:s2], [sflag:$0x1] =	stream.linear.gather [hbm4b:s1+s2], $0x8000, $0x38;
	[tilespmem:$0x8000] =	vst v63  }
0x271: {  	_ =	swait.ge [sflag:s4], $0x8000  }
0x272: {  	[sflag:s4] =	ssyncset.done $0x0  }
0x273: {  	s1 =	rddreg [dreg:$0xe];
	[sflag:s4] =	ssyncadd.s32 $0xFFFF8000  }
0x274: {  	[hbm4b:s1+s2] =	stream.linear.scatter [tilespmem:s2], [sflag:$0x1], $0x8000, $0x38;
	[tilespmem:$0x8000] =	vst v63  }
0x275: {  	_ =	swait.ge [sflag:s4], $0x8000  }
0x276: {  	[sflag:s4] =	ssyncset.done $0x0  }
0x277: {  	s1 =	rddreg [dreg:$0xf];
	[sflag:s4] =	ssyncadd.s32 $0xFFFF8000  }
0x278: {  	[tilespmem:s2], [sflag:$0x1] =	stream.linear.gather [hbm4b:s1+s2], $0x8000, $0x38;
	[tilespmem:$0x8000] =	vst v63  }
0x279: {  	_ =	swait.ge [sflag:s4], $0x8000  }
0x27a: {  	[sflag:s4] =	ssyncset.done $0x0  }
0x27b: {  	s1 =	rddreg [dreg:$0x10];
	[sflag:s4] =	ssyncadd.s32 $0xFFFF8000  }
0x27c: {  	[hbm4b:s1+s2] =	stream.linear.scatter [tilespmem:s2], [sflag:$0x1], $0x8000, $0x38;
	[tilespmem:$0x8000] =	vst v63  }
0x27d: {  	_ =	swait.ge [sflag:s4], $0x8000  }
0x27e: {  	[sflag:s4] =	ssyncset.done $0x0  }
0x27f: {  	s1 =	rddreg [dreg:$0x11];
	[sflag:s4] =	ssyncadd.s32 $0xFFFF8000  }
0x280: {  	[tilespmem:s2], [sflag:$0x1] =	stream.linear.gather [hbm4b:s1+s2], $0x8000, $0x38;
	[tilespmem:$0x8000] =	vst v63  }
0x281: {  	_ =	swait.ge [sflag:s4], $0x8000  }
0x282: {  	[sflag:s4] =	ssyncset.done $0x0  }
0x283: {  	s1 =	rddreg [dreg:$0x12];
	[sflag:s4] =	ssyncadd.s32 $0xFFFF8000  }
0x284: {  	[hbm4b:s1+s2] =	stream.linear.scatter [tilespmem:s2], [sflag:$0x1], $0x8000, $0x38;
	[tilespmem:$0x8000] =	vst v63  }
0x285: {  	_ =	swait.ge [sflag:s4], $0x8000  }
0x286: {  	[sflag:s4] =	ssyncset.done $0x0  }
0x287: {  	s1 =	rddreg [dreg:$0x13];
	[sflag:s4] =	ssyncadd.s32 $0xFFFF8000  }
0x288: {  	[tilespmem:s2], [sflag:$0x1] =	stream.linear.gather [hbm4b:s1+s2], $0x8000, $0x38;
	[tilespmem:$0x8000] =	vst v63  }
0x289: {  	_ =	swait.ge [sflag:s4], $0x8000  }
0x28a: {  	[sflag:s4] =	ssyncset.done $0x0  }
0x28b: {  	s1 =	rddreg [dreg:$0x14];
	[sflag:s4] =	ssyncadd.s32 $0xFFFF8000  }
0x28c: {  	[hbm4b:s1+s2] =	stream.linear.scatter [tilespmem:s2], [sflag:$0x1], $0x8000, $0x38;
	[tilespmem:$0x8000] =	vst v63  }
0x28d: {  	_ =	swait.ge [sflag:s4], $0x8000  }
0x28e: {  	[sflag:s4] =	ssyncset.done $0x0  }
0x28f: {  	s1 =	rddreg [dreg:$0x15];
	[sflag:s4] =	ssyncadd.s32 $0xFFFF8000  }
0x290: {  	[tilespmem:s2], [sflag:$0x1] =	stream.linear.gather [hbm4b:s1+s2], $0x8000, $0x38;
	[tilespmem:$0x8000] =	vst v63  }
0x291: {  	_ =	swait.ge [sflag:s4], $0x8000  }
0x292: {  	[sflag:s4] =	ssyncset.done $0x0  }
0x293: {  	s1 =	rddreg [dreg:$0x16];
	[sflag:s4] =	ssyncadd.s32 $0xFFFF8000  }
0x294: {  	[hbm4b:s1+s2] =	stream.linear.scatter [tilespmem:s2], [sflag:$0x1], $0x8000, $0x38;
	[tilespmem:$0x8000] =	vst v63  }
0x295: {  	_ =	swait.ge [sflag:s4], $0x8000  }
0x296: {  	[sflag:s4] =	ssyncset.done $0x0  }
0x297: {  	s1 =	rddreg [dreg:$0x17];
	[sflag:s4] =	ssyncadd.s32 $0xFFFF8000  }
0x298: {  	[tilespmem:s2], [sflag:$0x1] =	stream.linear.gather [hbm4b:s1+s2], $0x8000, $0x38;
	[tilespmem:$0x8000] =	vst v63  }
0x299: {  	_ =	swait.ge [sflag:s4], $0x8000  }
0x29a: {  	[sflag:s4] =	ssyncset.done $0x0  }
0x29b: {  	s1 =	rddreg [dreg:$0x18];
	[sflag:s4] =	ssyncadd.s32 $0xFFFF8000  }
0x29c: {  	[hbm4b:s1+s2] =	stream.linear.scatter [tilespmem:s2], [sflag:$0x1], $0x8000, $0x38;
	[tilespmem:$0x8000] =	vst v63  }
0x29d: {  	_ =	swait.ge [sflag:s4], $0x8000  }
0x29e: {  	[sflag:s4] =	ssyncset.done $0x0  }
0x29f: {  	s1 =	rddreg [dreg:$0x19];
	[sflag:s4] =	ssyncadd.s32 $0xFFFF8000  }
0x2a0: {  	[tilespmem:s2], [sflag:$0x1] =	stream.linear.gather [hbm4b:s1+s2], $0x8000, $0x38;
	[tilespmem:$0x8000] =	vst v63  }
0x2a1: {  	_ =	swait.ge [sflag:s4], $0x8000  }
0x2a2: {  	[sflag:s4] =	ssyncset.done $0x0  }
0x2a3: {  	s1 =	rddreg [dreg:$0x1a];
	[sflag:s4] =	ssyncadd.s32 $0xFFFF8000  }
0x2a4: {  	[hbm4b:s1+s2] =	stream.linear.scatter [tilespmem:s2], [sflag:$0x1], $0x8000, $0x38;
	[tilespmem:$0x8000] =	vst v63  }
0x2a5: {  	_ =	swait.ge [sflag:s4], $0x8000  }
0x2a6: {  	[sflag:s4] =	ssyncset.done $0x0  }
0x2a7: {  	s1 =	rddreg [dreg:$0x1b];
	[sflag:s4] =	ssyncadd.s32 $0xFFFF8000  }
0x2a8: {  	[tilespmem:s2], [sflag:$0x1] =	stream.linear.gather [hbm4b:s1+s2], $0x8000, $0x38;
	[tilespmem:$0x8000] =	vst v63  }
0x2a9: {  	_ =	swait.ge [sflag:s4], $0x8000  }
0x2aa: {  	[sflag:s4] =	ssyncset.done $0x0  }
0x2ab: {  	s1 =	rddreg [dreg:$0x1c];
	[sflag:s4] =	ssyncadd.s32 $0xFFFF8000  }
0x2ac: {  	[hbm4b:s1+s2] =	stream.linear.scatter [tilespmem:s2], [sflag:$0x1], $0x8000, $0x38;
	[tilespmem:$0x8000] =	vst v63  }
0x2ad: {  	_ =	swait.ge [sflag:s4], $0x8000  }
0x2ae: {  	[sflag:s4] =	ssyncset.done $0x0  }
0x2af: {  	s1 =	rddreg [dreg:$0x1d];
	[sflag:s4] =	ssyncadd.s32 $0xFFFF8000  }
0x2b0: {  	[tilespmem:s2], [sflag:$0x1] =	stream.linear.gather [hbm4b:s1+s2], $0x8000, $0x38;
	[tilespmem:$0x8000] =	vst v63  }
0x2b1: {  	_ =	swait.ge [sflag:s4], $0x8000  }
0x2b2: {  	[sflag:s4] =	ssyncset.done $0x0  }
0x2b3: {  	s1 =	rddreg [dreg:$0x1e];
	[sflag:s4] =	ssyncadd.s32 $0xFFFF8000  }
0x2b4: {  	[hbm4b:s1+s2] =	stream.linear.scatter [tilespmem:s2], [sflag:$0x1], $0x8000, $0x38;
	[tilespmem:$0x8000] =	vst v63  }
0x2b5: {  	_ =	swait.ge [sflag:s4], $0x8000  }
0x2b6: {  	[sflag:s4] =	ssyncset.done $0x0  }
0x2b7: {  	s1 =	rddreg [dreg:$0x1f];
	[sflag:s4] =	ssyncadd.s32 $0xFFFF8000  }
0x2b8: {  	[tilespmem:s2], [sflag:$0x1] =	stream.linear.gather [hbm4b:s1+s2], $0x8000, $0x38;
	[tilespmem:$0x8000] =	vst v63  }
0x2b9: {  	_ =	swait.ge [sflag:s4], $0x8000  }
0x2ba: {  	s1 =	sld [smem:$0x7F5]  }
0x2bb: {  	[sflag:s4] =	ssyncset.done $0x0  }
0x2bc: {  	[sflag:s4] =	ssyncadd.s32 $0xFFFF8000  }
0x2bd: {  	[hbm4b:s1+s2] =	stream.linear.scatter [tilespmem:s2], [sflag:$0x1], $0x8000, $0x38;
	[tilespmem:$0x8000] =	vst v63  }
0x2be: {  	_ =	swait.ge [sflag:s4], $0x8000  }
0x2bf: {  	s1 =	sld [smem:$0x7F6]  }
0x2c0: {  	[sflag:s4] =	ssyncset.done $0x0  }
0x2c1: {  	[sflag:s4] =	ssyncadd.s32 $0xFFFF8000  }
0x2c2: {  	[tilespmem:s2], [sflag:$0x1] =	stream.linear.gather [hbm4b:s1+s2], $0x8000, $0x38;
	[tilespmem:$0x8000] =	vst v63  }
0x2c3: {  	_ =	swait.ge [sflag:s4], $0x8000  }
0x2c4: {  	s1 =	sld [smem:$0x7F7]  }
0x2c5: {  	[sflag:s4] =	ssyncset.done $0x0  }
0x2c6: {  	[sflag:s4] =	ssyncadd.s32 $0xFFFF8000  }
0x2c7: {  	[hbm4b:s1+s2] =	stream.linear.scatter [tilespmem:s2], [sflag:$0x1], $0x8000, $0x38;
	[tilespmem:$0x8000] =	vst v63  }
0x2c8: {  	_ =	swait.ge [sflag:s4], $0x8000  }
0x2c9: {  	s1 =	sld [smem:$0x7F8]  }
0x2ca: {  	[sflag:s4] =	ssyncset.done $0x0  }
0x2cb: {  	[sflag:s4] =	ssyncadd.s32 $0xFFFF8000  }
0x2cc: {  	[tilespmem:s2], [sflag:$0x1] =	stream.linear.gather [hbm4b:s1+s2], $0x8000, $0x38;
	[tilespmem:$0x8000] =	vst v63  }
0x2cd: {  	_ =	swait.ge [sflag:s4], $0x8000  }
0x2ce: {  	s1 =	sld [smem:$0x7F9]  }
0x2cf: {  	[sflag:s4] =	ssyncset.done $0x0  }
0x2d0: {  	[sflag:s4] =	ssyncadd.s32 $0xFFFF8000  }
0x2d1: {  	[hbm4b:s1+s2] =	stream.linear.scatter [tilespmem:s2], [sflag:$0x1], $0x8000, $0x38;
	[tilespmem:$0x8000] =	vst v63  }
0x2d2: {  	_ =	swait.ge [sflag:s4], $0x8000  }
0x2d3: {  	s1 =	sld [smem:$0x7FA]  }
0x2d4: {  	[sflag:s4] =	ssyncset.done $0x0  }
0x2d5: {  	[sflag:s4] =	ssyncadd.s32 $0xFFFF8000  }
0x2d6: {  	[tilespmem:s2], [sflag:$0x1] =	stream.linear.gather [hbm4b:s1+s2], $0x8000, $0x38;
	[tilespmem:$0x8000] =	vst v63  }
0x2d7: {  	_ =	swait.ge [sflag:s4], $0x8000  }
0x2d8: {  	s1 =	sld [smem:$0x7FB]  }
0x2d9: {  	[sflag:s4] =	ssyncset.done $0x0  }
0x2da: {  	[sflag:s4] =	ssyncadd.s32 $0xFFFF8000  }
0x2db: {  	[hbm4b:s1+s2] =	stream.linear.scatter [tilespmem:s2], [sflag:$0x1], $0x8000, $0x38;
	[tilespmem:$0x8000] =	vst v63  }
0x2dc: {  	_ =	swait.ge [sflag:s4], $0x8000  }
0x2dd: {  	s1 =	sld [smem:$0x7FC]  }
0x2de: {  	[sflag:s4] =	ssyncset.done $0x0  }
0x2df: {  	[sflag:s4] =	ssyncadd.s32 $0xFFFF8000  }
0x2e0: {  	[tilespmem:s2], [sflag:$0x1] =	stream.linear.gather [hbm4b:s1+s2], $0x8000, $0x38;
	[tilespmem:$0x8000] =	vst v63  }
0x2e1: {  	_ =	swait.ge [sflag:s4], $0x8000  }
0x2e2: {  	[sflag:s4] =	ssyncset.done $0x0  }
0x2e3: {  	[sflag:s4] =	ssyncadd.s32 $0xFFFF8000  }
0x2e4: {  	[hbm4b:s31+s2] =	stream.linear.scatter [tilespmem:s2], [sflag:$0x1], $0x8000, $0x38;
	[tilespmem:$0x8000] =	vst v63  }
0x2e5: {  	_ =	swait.ge [sflag:s4], $0x8000  }
0x2e6: {  	[sflag:s4] =	ssyncset.done $0x0  }
0x2e7: {  	[sflag:s4] =	ssyncadd.s32 $0xFFFF8000  }
0x2e8: {  	[tilespmem:s2], [sflag:$0x1] =	stream.linear.gather [hbm4b:s30+s2], $0x8000, $0x38;
	[tilespmem:$0x8000] =	vst v63  }
0x2e9: {  	_ =	swait.ge [sflag:s4], $0x8000  }
0x2ea: {  	[sflag:s4] =	ssyncset.done $0x0  }
0x2eb: {  	[sflag:s4] =	ssyncadd.s32 $0xFFFF8000  }
0x2ec: {  	[hbm4b:s29+s2] =	stream.linear.scatter [tilespmem:s2], [sflag:$0x1], $0x8000, $0x38;
	[tilespmem:$0x8000] =	vst v63  }
0x2ed: {  	_ =	swait.ge [sflag:s4], $0x8000  }
0x2ee: {  	[sflag:s4] =	ssyncset.done $0x0  }
0x2ef: {  	[sflag:s4] =	ssyncadd.s32 $0xFFFF8000  }
0x2f0: {  	[tilespmem:s2], [sflag:$0x1] =	stream.linear.gather [hbm4b:s28+s2], $0x8000, $0x38;
	[tilespmem:$0x8000] =	vst v63  }
0x2f1: {  	_ =	swait.ge [sflag:s4], $0x8000  }
0x2f2: {  	[sflag:s4] =	ssyncset.done $0x0  }
0x2f3: {  	[sflag:s4] =	ssyncadd.s32 $0xFFFF8000  }
0x2f4: {  	[hbm4b:s26+s2] =	stream.linear.scatter [tilespmem:s2], [sflag:$0x1], $0x8000, $0x38;
	[tilespmem:$0x8000] =	vst v63  }
0x2f5: {  	_ =	swait.ge [sflag:s4], $0x8000  }
0x2f6: {  	[sflag:s4] =	ssyncset.done $0x0  }
0x2f7: {  	[sflag:s4] =	ssyncadd.s32 $0xFFFF8000  }
0x2f8: {  	[tilespmem:s2], [sflag:$0x1] =	stream.linear.gather [hbm4b:s25+s2], $0x8000, $0x38;
	[tilespmem:$0x8000] =	vst v63  }
0x2f9: {  	_ =	swait.ge [sflag:s4], $0x8000  }
0x2fa: {  	[sflag:s4] =	ssyncset.done $0x0  }
0x2fb: {  	[sflag:s4] =	ssyncadd.s32 $0xFFFF8000  }
0x2fc: {  	[hbm4b:s24+s2] =	stream.linear.scatter [tilespmem:s2], [sflag:$0x1], $0x8000, $0x38;
	[tilespmem:$0x8000] =	vst v63  }
0x2fd: {  	_ =	swait.ge [sflag:s4], $0x8000  }
0x2fe: {  	[sflag:s4] =	ssyncset.done $0x0  }
0x2ff: {  	[sflag:s4] =	ssyncadd.s32 $0xFFFF8000  }
0x300: {  	[tilespmem:s2], [sflag:$0x1] =	stream.linear.gather [hbm4b:s23+s2], $0x8000, $0x38;
	[tilespmem:$0x8000] =	vst v63  }
0x301: {  	_ =	swait.ge [sflag:s4], $0x8000  }
0x302: {  	[sflag:s4] =	ssyncset.done $0x0  }
0x303: {  	[sflag:s4] =	ssyncadd.s32 $0xFFFF8000  }
0x304: {  	[hbm4b:s22+s2] =	stream.linear.scatter [tilespmem:s2], [sflag:$0x1], $0x8000, $0x38;
	[tilespmem:$0x8000] =	vst v63  }
0x305: {  	_ =	swait.ge [sflag:s4], $0x8000  }
0x306: {  	[sflag:s4] =	ssyncset.done $0x0  }
0x307: {  	[sflag:s4] =	ssyncadd.s32 $0xFFFF8000  }
0x308: {  	[tilespmem:s2], [sflag:$0x1] =	stream.linear.gather [hbm4b:s21+s2], $0x8000, $0x38;
	[tilespmem:$0x8000] =	vst v63  }
0x309: {  	_ =	swait.ge [sflag:s4], $0x8000  }
0x30a: {  	[sflag:s4] =	ssyncset.done $0x0  }
0x30b: {  	[sflag:s4] =	ssyncadd.s32 $0xFFFF8000  }
0x30c: {  	[hbm4b:s20+s2] =	stream.linear.scatter [tilespmem:s2], [sflag:$0x1], $0x8000, $0x38;
	[tilespmem:$0x8000] =	vst v63  }
0x30d: {  	_ =	swait.ge [sflag:s4], $0x8000  }
0x30e: {  	[sflag:s4] =	ssyncset.done $0x0  }
0x30f: {  	[sflag:s4] =	ssyncadd.s32 $0xFFFF8000  }
0x310: {  	[tilespmem:s2], [sflag:$0x1] =	stream.linear.gather [hbm4b:s19+s2], $0x8000, $0x38;
	[tilespmem:$0x8000] =	vst v63  }
0x311: {  	_ =	swait.ge [sflag:s4], $0x8000  }
0x312: {  	[sflag:s4] =	ssyncset.done $0x0  }
0x313: {  	[sflag:s4] =	ssyncadd.s32 $0xFFFF8000  }
0x314: {  	[hbm4b:s18+s2] =	stream.linear.scatter [tilespmem:s2], [sflag:$0x1], $0x8000, $0x38;
	[tilespmem:$0x8000] =	vst v63  }
0x315: {  	_ =	swait.ge [sflag:s4], $0x8000  }
0x316: {  	[sflag:s4] =	ssyncset.done $0x0  }
0x317: {  	[sflag:s4] =	ssyncadd.s32 $0xFFFF8000  }
0x318: {  	[tilespmem:s2], [sflag:$0x1] =	stream.linear.gather [hbm4b:s17+s2], $0x8000, $0x38;
	[tilespmem:$0x8000] =	vst v63  }
0x319: {  	_ =	swait.ge [sflag:s4], $0x8000  }
0x31a: {  	[sflag:s4] =	ssyncset.done $0x0  }
0x31b: {  	[sflag:s4] =	ssyncadd.s32 $0xFFFF8000  }
0x31c: {  	[hbm4b:s16+s2] =	stream.linear.scatter [tilespmem:s2], [sflag:$0x1], $0x8000, $0x38;
	[tilespmem:$0x8000] =	vst v63  }
0x31d: {  	_ =	swait.ge [sflag:s4], $0x8000  }
0x31e: {  	[sflag:s4] =	ssyncset.done $0x0  }
0x31f: {  	[sflag:s4] =	ssyncadd.s32 $0xFFFF8000  }
0x320: {  	[tilespmem:s2], [sflag:$0x1] =	stream.linear.gather [hbm4b:s15+s2], $0x8000, $0x38;
	[tilespmem:$0x8000] =	vst v63  }
0x321: {  	_ =	swait.ge [sflag:s4], $0x8000  }
0x322: {  	[sflag:s4] =	ssyncset.done $0x0  }
0x323: {  	[sflag:s4] =	ssyncadd.s32 $0xFFFF8000  }
0x324: {  	[hbm4b:s14+s2] =	stream.linear.scatter [tilespmem:s2], [sflag:$0x1], $0x8000, $0x38;
	[tilespmem:$0x8000] =	vst v63  }
0x325: {  	_ =	swait.ge [sflag:s4], $0x8000  }
0x326: {  	[sflag:s4] =	ssyncset.done $0x0  }
0x327: {  	[sflag:s4] =	ssyncadd.s32 $0xFFFF8000  }
0x328: {  	[tilespmem:s2], [sflag:$0x1] =	stream.linear.gather [hbm4b:s13+s2], $0x8000, $0x38;
	[tilespmem:$0x8000] =	vst v63  }
0x329: {  	_ =	swait.ge [sflag:s4], $0x8000  }
0x32a: {  	[sflag:s4] =	ssyncset.done $0x0  }
0x32b: {  	[sflag:s4] =	ssyncadd.s32 $0xFFFF8000  }
0x32c: {  	[hbm4b:s12+s2] =	stream.linear.scatter [tilespmem:s2], [sflag:$0x1], $0x8000, $0x38;
	[tilespmem:$0x8000] =	vst v63  }
0x32d: {  	_ =	swait.ge [sflag:s4], $0x8000  }
0x32e: {  	[sflag:s4] =	ssyncset.done $0x0  }
0x32f: {  	[sflag:s4] =	ssyncadd.s32 $0xFFFF8000  }
0x330: {  	[tilespmem:s2], [sflag:$0x1] =	stream.linear.gather [hbm4b:s11+s2], $0x8000, $0x38;
	[tilespmem:$0x8000] =	vst v63  }
0x331: {  	_ =	swait.ge [sflag:s4], $0x8000  }
0x332: {  	[sflag:s4] =	ssyncset.done $0x0  }
0x333: {  	[sflag:s4] =	ssyncadd.s32 $0xFFFF8000  }
0x334: {  	[hbm4b:s10+s2] =	stream.linear.scatter [tilespmem:s2], [sflag:$0x1], $0x8000, $0x38;
	[tilespmem:$0x8000] =	vst v63  }
0x335: {  	_ =	swait.ge [sflag:s4], $0x8000  }
0x336: {  	[sflag:s4] =	ssyncset.done $0x0  }
0x337: {  	[sflag:s4] =	ssyncadd.s32 $0xFFFF8000  }
0x338: {  	[tilespmem:s2], [sflag:$0x1] =	stream.linear.gather [hbm4b:s9+s2], $0x8000, $0x38;
	[tilespmem:$0x8000] =	vst v63  }
0x339: {  	_ =	swait.ge [sflag:s4], $0x8000  }
0x33a: {  	[sflag:s4] =	ssyncset.done $0x0  }
0x33b: {  	[sflag:s4] =	ssyncadd.s32 $0xFFFF8000  }
0x33c: {  	[hbm4b:s8+s2] =	stream.linear.scatter [tilespmem:s2], [sflag:$0x1], $0x8000, $0x38;
	[tilespmem:$0x8000] =	vst v63  }
0x33d: {  	_ =	swait.ge [sflag:s4], $0x8000  }
0x33e: {  	[sflag:s4] =	ssyncset.done $0x0  }
0x33f: {  	[sflag:s4] =	ssyncadd.s32 $0xFFFF8000  }
0x340: {  	[tilespmem:s2], [sflag:$0x1] =	stream.linear.gather [hbm4b:s7+s2], $0x8000, $0x38;
	[tilespmem:$0x8000] =	vst v63  }
0x341: {  	_ =	swait.ge [sflag:s4], $0x8000  }
0x342: {  	[sflag:s4] =	ssyncset.done $0x0  }
0x343: {  	[sflag:s4] =	ssyncadd.s32 $0xFFFF8000  }
0x344: {  	[hbm4b:s6+s2] =	stream.linear.scatter [tilespmem:s2], [sflag:$0x1], $0x8000, $0x38;
	[tilespmem:$0x8000] =	vst v63  }
0x345: {  	_ =	swait.ge [sflag:s4], $0x8000  }
0x346: {  	[sflag:s4] =	ssyncset.done $0x0  }
0x347: {  	[sflag:s4] =	ssyncadd.s32 $0xFFFF8000  }
0x348: {  	[tilespmem:s2], [sflag:$0x1] =	stream.linear.gather [hbm4b:s5+s2], $0x8000, $0x38;
	[tilespmem:$0x8000] =	vst v63  }
0x349: {  	_ =	swait.ge [sflag:s4], $0x8000  }
0x34a: {  	[sflag:s4] =	ssyncset.done $0x0  }
0x34b: {  	[sflag:s4] =	ssyncadd.s32 $0xFFFF8000  }
0x34c: {  	[hbm4b:s3+s2] =	stream.linear.scatter [tilespmem:s2], [sflag:$0x1], $0x8000, $0x38;
	[tilespmem:$0x8000] =	vst v63  }
0x34d: {  	_ =	swait.ge [sflag:s4], $0x8000  }
0x34e: {  	[sflag:s4] =	ssyncset.done $0x0  }
0x34f: {  	[sflag:s4] =	ssyncadd.s32 $0xFFFF8000  }
0x350: {  	_ =	sfence.sel $0x180000  }
0x351: {  	[bflag:$0x0] =	sbarrier.arrive $0xFFFF  }
0x352: {  	_ =	strace $0x90000047  }
0x353: {  	s31 =	stileid.u32;
	[bflag:$0x2] =	sbarrier.arrive $0xFFFF  }
0x354: {  	p0 =	sne.s32 s31, $0x0;
	s0 =	rddreg [dreg:$0x2]  }
0x355: {  	s0 =	sadd.s32 @!p0 $0x100000, s0  }
0x356: {  	[sflag:s0] =	ssyncadd.tile.s32 @!p0 $0x1;
	_ =	shalt  }
.Lfunc_end2:
_tile_overlayer_lowered:
.L_overlay_start_2:
0x357: {  	(tag) =	ssettag $0x2  }
0x358: {  	s0 =	rddreg [dreg:$0x0];
	s2 =	stileid.u32  }
0x359: {  	s1 =	rddreg [dreg:$0x1];
	p0 =	sne.s32 s2, $0x0  }
0x35a: {  	s3 =	rddreg [dreg:$0x2];
	[bflag:$0x3] =	sbarrier.arrive $0xFFFF;
	s2 =	simm.s32 @!p0 $0x1C01  }
0x35b: {  	[timem:s3], [sflag:s2] =	dma.local @!p0 [hbm:s0], s1  }
0x35c: {  	s0 =	simm.s32 @!p0 $0x1  }
0x35d: {  	_ =	swait.ge @!p0 [sflag:s0], s1  }
0x35e: {  	s1 =	ssub.s32 @!p0 $0x0, s1;
	[sflag:s0] =	ssyncset.done @!p0 $0x0  }
0x35f: {  	[sflag:s0] =	ssyncadd.s32 @!p0 s1  }
0x360: {  	[bflag:$0x3] =	sbarrier.arrive $0xFFFF  }
0x361: {  	_ =	shalt  }

</sc_bundles>
